<compile_context>
chip_gen: v7x
topology: tpu7x:2x2x1
jax: 0.10.2.dev20260603
libtpu: 0.0.44.dev20260713+nightly
codegen_flags: <defaults>
</compile_context>

<pallas_src>
import functools
from functools import partial

import jax
import jax.numpy as jnp
from jax import lax
from jax.experimental import pallas as pl
from jax.experimental.pallas import tpu as pltpu

F32 = jnp.float32
_PREC = None


def _fps_body(x_ref, out_ref, *, npoint, rows):
    xs = x_ref[0, 0]
    ys = x_ref[0, 1]
    zs = x_ref[0, 2]
    row = lax.broadcasted_iota(jnp.int32, (rows, 128), 0)
    col = lax.broadcasted_iota(jnp.int32, (rows, 128), 1)
    flat = row * 128 + col
    big = jnp.int32(rows * 128)

    def body(i, carry):
        fidx, dist = carry
        sel = flat == fidx
        zf = jnp.float32(0.0)
        cx = jnp.sum(jnp.where(sel, xs, zf))
        cy = jnp.sum(jnp.where(sel, ys, zf))
        cz = jnp.sum(jnp.where(sel, zs, zf))
        out_ref[0, pl.ds(i, 1), :] = jnp.stack([cx, cy, cz]).reshape(1, 3)
        dx = xs - cx
        dy = ys - cy
        dz = zs - cz
        inf = jnp.float32(jnp.inf)
        sx = jnp.minimum(dx * dx, inf)
        sy = jnp.minimum(dy * dy, inf)
        sz = jnp.minimum(dz * dz, inf)
        d = (sx + sy) + sz
        dist = jnp.minimum(dist, d)
        m = jnp.max(dist)
        fidx = jnp.min(jnp.where(dist == m, flat, big))
        return fidx, dist

    dist0 = jnp.full((rows, 128), 1e10, F32)
    lax.fori_loop(0, npoint, body, (jnp.int32(0), dist0))


def _fps_pallas(xyz, npoint):
    B, N, _ = xyz.shape
    rows = N // 128
    xt = jnp.transpose(xyz, (0, 2, 1)).reshape(B, 3, rows, 128)
    return pl.pallas_call(
        partial(_fps_body, npoint=npoint, rows=rows),
        grid=(B,),
        in_specs=[pl.BlockSpec((1, 3, rows, 128), lambda b: (b, 0, 0, 0))],
        out_specs=pl.BlockSpec((1, npoint, 3), lambda b: (b, 0, 0)),
        out_shape=jax.ShapeDtypeStruct((B, npoint, 3), F32),
    )(xt)


def _fps(xyz, npoint):
    B, N, _ = xyz.shape

    def body(i, state):
        centroids, distance, farthest = state
        centroids = centroids.at[:, i].set(farthest)
        centroid = xyz[jnp.arange(B), farthest][:, None, :]
        dist = jnp.sum((xyz - centroid) ** 2, -1)
        distance = jnp.minimum(distance, dist)
        farthest = jnp.argmax(distance, -1).astype(jnp.int32)
        return centroids, distance, farthest

    centroids = jnp.zeros((B, npoint), dtype=jnp.int32)
    distance = jnp.full((B, N), 1e10, dtype=jnp.float32)
    farthest = jnp.zeros((B,), dtype=jnp.int32)
    centroids, _, _ = lax.fori_loop(0, npoint, body,
                                    (centroids, distance, farthest))
    bidx = jnp.arange(B).reshape(B, 1)
    return xyz[bidx, centroids]


def _sqdist(src, dst):
    return (jnp.sum(src ** 2, -1)[..., :, None]
            + jnp.sum(dst ** 2, -1)[..., None, :]
            - 2.0 * jnp.matmul(src, jnp.swapaxes(dst, -1, -2)))


def _ball_idx(radius, nsample, xyz, new_xyz):
    B, S, _ = new_xyz.shape
    N = xyz.shape[1]
    d2 = _sqdist(new_xyz, xyz)
    gi = jnp.broadcast_to(jnp.arange(N, dtype=jnp.int32), (B, S, N))
    gi = jnp.where(d2 > radius ** 2, jnp.int32(N), gi)
    gi = jnp.sort(gi, axis=-1)[:, :, :nsample]
    first = gi[:, :, :1]
    return jnp.where(gi == N, first, gi)


def _pick_tq(M, per_row_elems, budget=262144):
    tq = max(1, budget // per_row_elems)
    if tq >= M:
        return M
    tq = max(8, tq - tq % 8)
    while tq > 0 and M % tq:
        tq -= 8
    return tq if tq > 0 else M


def _maxpool_body(x_ref, o_ref):
    o_ref[...] = jnp.max(x_ref[...], axis=1)


def _maxpool(x):
    M, K, C = x.shape
    tq = _pick_tq(M, K * C)
    return pl.pallas_call(
        _maxpool_body,
        grid=(M // tq,),
        in_specs=[pl.BlockSpec((tq, K, C), lambda i: (i, 0, 0))],
        out_specs=pl.BlockSpec((tq, C), lambda i: (i, 0)),
        out_shape=jax.ShapeDtypeStruct((M, C), F32),
    )(x)


def _fc_body(x_ref, w_ref, b_ref, o_ref):
    z = lax.dot_general(x_ref[...], w_ref[...], (((1,), (0,)), ((), ())),
                        preferred_element_type=F32, precision=_PREC)
    o_ref[...] = z + b_ref[...]


def _fc(x, w, b):
    M, Cin = x.shape
    Cout = w.shape[1]
    return pl.pallas_call(
        _fc_body,
        grid=(1,),
        in_specs=[pl.BlockSpec((M, Cin), lambda i: (0, 0)),
                  pl.BlockSpec((Cin, Cout), lambda i: (0, 0)),
                  pl.BlockSpec((1, Cout), lambda i: (0, 0))],
        out_specs=pl.BlockSpec((M, Cout), lambda i: (0, 0)),
        out_shape=jax.ShapeDtypeStruct((M, Cout), F32),
    )(x, w, b.reshape(1, Cout))


def _bn(x, gamma, beta, eps=1e-5):
    axes = tuple(range(x.ndim - 1))
    mean = jnp.mean(x, axis=axes, keepdims=True)
    var = jnp.var(x, axis=axes, keepdims=True)
    return gamma * (x - mean) / jnp.sqrt(var + eps) + beta


def _mlp(pts, layers):
    for (W, b, g, be) in layers:
        pts = jnp.matmul(pts, W) + b
        pts = jax.nn.relu(_bn(pts, g, be))
    return pts


def kernel(x, params):
    B, N, _ = x.shape
    xyz = x[:, :, :3]
    feats = x[:, :, 3:]
    batch = jnp.arange(B).reshape(B, 1, 1)

    nx1 = _fps(xyz, 2048)
    idx1 = _ball_idx(0.2, 64, xyz, nx1)
    grouped = jnp.concatenate(
        [xyz[batch, idx1] - nx1[:, :, None, :], feats[batch, idx1]], -1)
    a = _mlp(grouped, params['sa1'])
    l1 = _maxpool(a.reshape(-1, 64, 128)).reshape(B, 2048, 128)

    nx2 = _fps(nx1, 512)
    idx2 = _ball_idx(0.4, 128, nx1, nx2)
    grouped = jnp.concatenate(
        [nx1[batch, idx2] - nx2[:, :, None, :], l1[batch, idx2]], -1)
    a = _mlp(grouped, params['sa2'])
    l2 = _maxpool(a.reshape(-1, 128, 256)).reshape(B, 512, 256)

    grouped = jnp.concatenate([nx2, l2], axis=-1)[:, None, :, :]
    a = _mlp(grouped, params['sa3'])
    g = _maxpool(a.reshape(B, 512, 1024))

    (w1, b1) = params['fc1']
    (g1, be1) = params['bn1']
    h = jax.nn.relu(_bn(jnp.matmul(g, w1) + b1, g1, be1))
    (w2, b2) = params['fc2']
    (g2, be2) = params['bn2']
    h = jax.nn.relu(_bn(jnp.matmul(h, w2) + b2, g2, be2))
    (w3, b3) = params['fc3']
    return _fc(h, w3, b3)

# --- scband reference (transcript-rebuilt; emitter-appended) ---
"""Pipeline reference for scband-point-net2-cls-65171833749935 (READ-ONLY COPY).

The authoritative reference and input builder live on the scoring server;
editing this copy changes nothing except your own understanding.
"""

import jax, jax.numpy as jnp
import numpy as np


def square_distance(src, dst):
    return (jnp.sum(src ** 2, -1)[..., :, None]
            + jnp.sum(dst ** 2, -1)[..., None, :]
            - 2.0 * jnp.matmul(src, jnp.swapaxes(dst, -1, -2)))


def index_points(points, idx):
    B = points.shape[0]
    batch = jnp.arange(B).reshape((B,) + (1,) * (idx.ndim - 1))
    return points[batch, idx]


def farthest_point_sample(xyz, npoint):
    B, N, _ = xyz.shape
    def body(i, state):
        centroids, distance, farthest = state
        centroids = centroids.at[:, i].set(farthest)
        centroid = xyz[jnp.arange(B), farthest][:, None, :]
        dist = jnp.sum((xyz - centroid) ** 2, -1)
        distance = jnp.minimum(distance, dist)
        farthest = jnp.argmax(distance, -1).astype(jnp.int32)
        return centroids, distance, farthest
    centroids = jnp.zeros((B, npoint), dtype=jnp.int32)
    distance = jnp.full((B, N), 1e10, dtype=jnp.float32)
    farthest = jnp.zeros((B,), dtype=jnp.int32)
    centroids, _, _ = jax.lax.fori_loop(0, npoint, body, (centroids, distance, farthest))
    return centroids


def query_ball_point(radius, nsample, xyz, new_xyz):
    B, S, _ = new_xyz.shape
    N = xyz.shape[1]
    sqrdists = square_distance(new_xyz, xyz)
    group_idx = jnp.broadcast_to(jnp.arange(N, dtype=jnp.int32), (B, S, N))
    group_idx = jnp.where(sqrdists > radius ** 2, jnp.int32(N), group_idx)
    group_idx = jnp.sort(group_idx, axis=-1)[:, :, :nsample]
    group_first = group_idx[:, :, :1]
    group_idx = jnp.where(group_idx == N, group_first, group_idx)
    return group_idx


def batch_norm(x, gamma, beta, eps=1e-5):
    axes = tuple(range(x.ndim - 1))
    mean = jnp.mean(x, axis=axes, keepdims=True)
    var = jnp.var(x, axis=axes, keepdims=True)
    return gamma * (x - mean) / jnp.sqrt(var + eps) + beta


def mlp_stack(pts, layers):
    for (W, b, g, be) in layers:
        pts = jnp.matmul(pts, W) + b
        pts = batch_norm(pts, g, be)
        pts = jax.nn.relu(pts)
    return pts


def set_abstraction(xyz, points, npoint, radius, nsample, layers, group_all):
    if group_all:
        B, N, _ = xyz.shape
        new_xyz = jnp.zeros((B, 1, 3), dtype=xyz.dtype)
        grouped = xyz[:, None, :, :]
        if points is not None:
            grouped = jnp.concatenate([grouped, points[:, None, :, :]], axis=-1)
    else:
        fps_idx = jax.lax.stop_gradient(farthest_point_sample(xyz, npoint))
        new_xyz = index_points(xyz, fps_idx)
        idx = jax.lax.stop_gradient(query_ball_point(radius, nsample, xyz, new_xyz))
        grouped = index_points(xyz, idx) - new_xyz[:, :, None, :]
        if points is not None:
            grouped = jnp.concatenate([grouped, index_points(points, idx)], axis=-1)
    new_points = mlp_stack(grouped, layers)
    new_points = jnp.max(new_points, axis=2)
    return new_xyz, new_points


def forward(x, params):
    xyz = x[:, :, :3]
    feats = x[:, :, 3:] if x.shape[2] > 3 else None
    l1_xyz, l1 = set_abstraction(xyz, feats, 2048, 0.2, 64, params['sa1'], False)
    l2_xyz, l2 = set_abstraction(l1_xyz, l1, 512, 0.4, 128, params['sa2'], False)
    _, l3 = set_abstraction(l2_xyz, l2, None, None, None, params['sa3'], True)
    g = l3.reshape(l3.shape[0], -1)
    W1, b1 = params['fc1']; g1, be1 = params['bn1']
    h = jax.nn.relu(batch_norm(jnp.matmul(g, W1) + b1, g1, be1))
    W2, b2 = params['fc2']; g2, be2 = params['bn2']
    h = jax.nn.relu(batch_norm(jnp.matmul(h, W2) + b2, g2, be2))
    W3, b3 = params['fc3']
    return jnp.matmul(h, W3) + b3


def setup_inputs(seed: int = 0) -> dict:
    key = jax.random.key(seed)
    ks = jax.random.split(key, 8)
    x = jax.random.normal(ks[0], (2, 4096, 6), dtype=jnp.float32)

    def lin(k, cin, cout):
        kw, _ = jax.random.split(k)
        W = jax.random.normal(kw, (cin, cout), dtype=jnp.float32) / np.sqrt(cin)
        b = jnp.zeros((cout,), dtype=jnp.float32)
        return (W, b)

    def bn(c):
        return (jnp.ones((c,), dtype=jnp.float32), jnp.zeros((c,), dtype=jnp.float32))

    def mk_sa(kbase, cin, mlp):
        layers = []
        c = cin
        for i, co in enumerate(mlp):
            W, b = lin(jax.random.fold_in(kbase, i), c, co)
            g, be = bn(co)
            layers.append((W, b, g, be))
            c = co
        return layers

    params = {
        'sa1': mk_sa(ks[1], 6, [64, 64, 128]),
        'sa2': mk_sa(ks[2], 131, [128, 128, 256]),
        'sa3': mk_sa(ks[3], 259, [256, 512, 1024]),
        'fc1': lin(ks[4], 1024, 512),
        'bn1': bn(512),
        'fc2': lin(ks[5], 512, 256),
        'bn2': bn(256),
        'fc3': lin(ks[6], 256, 3),
    }
    return {'x': x, 'params': params}


def reference(x, params):
    return forward(x, params)

if __name__ == "__main__":
    import jax
    _d = setup_inputs()
    print(jax.jit(kernel)(*tuple(_d.values())))

</pallas_src>

<mosaic_0001>
module attributes {stable_mosaic.version = 14 : i64} {
  func.func @_maxpool_body(%arg0: i32, %arg1: memref<32x64x128xf32, #tpu.memory_space<vmem>>, %arg2: memref<32x128xf32, #tpu.memory_space<vmem>>) attributes {dimension_semantics = [#tpu.dimension_semantics<arbitrary>], iteration_bounds = array<i64: 128>, scalar_prefetch = 0 : i64, scratch_operands = 0 : i64, tpu.core_type = #tpu.core_type<tc>, window_params = [{transform_indices = @transform_0, window_bounds = array<i64: 32, 64, 128>}, {transform_indices = @transform_1, window_bounds = array<i64: 32, 128>}]} {
    %get3A = arith.constant 0 : index
    %get3A_0 = arith.constant 0 : index
    %get3A_1 = arith.constant 0 : index
    %get3A_2 = vector.load %arg1[%get3A, %get3A_0, %get3A_1] : memref<32x64x128xf32, #tpu.memory_space<vmem>>, vector<32x64x128xf32>
    %reduce_max3A = arith.constant dense<0xFF800000> : vector<32x128xf32>
    %reduce_max3A_3 = vector.multi_reduction <maximumf>, %get3A_2, %reduce_max3A [1] : vector<32x64x128xf32> to vector<32x128xf32>
    %swap3A = arith.constant 0 : index
    %swap3A_4 = arith.constant 0 : index
    %swap3A_5 = vector.load %arg2[%swap3A, %swap3A_4] : memref<32x128xf32, #tpu.memory_space<vmem>>, vector<32x128xf32>
    tpu.vector_store %arg2[%swap3A, %swap3A_4], %reduce_max3A_3 {strides = array<i32>} : memref<32x128xf32, #tpu.memory_space<vmem>>, vector<32x128xf32>,
    return
  }
  func.func @transform_0(%arg0: i32) -> (i32, i32, i32) {
    %c0_i32 = arith.constant 0 : i32
    %c0_i32_0 = arith.constant 0 : i32
    %c0_i32_1 = arith.constant 0 : i32
    return %arg0, %c0_i32, %c0_i32_0 : i32, i32, i32
  }
  func.func @transform_1(%arg0: i32) -> (i32, i32) {
    %c0_i32 = arith.constant 0 : i32
    %c0_i32_0 = arith.constant 0 : i32
    return %arg0, %c0_i32 : i32, i32
  }
}

module attributes {stable_mosaic.version = 14 : i64} {
  func.func @_maxpool_body(%arg0: i32, %arg1: memref<8x128x256xf32, #tpu.memory_space<vmem>>, %arg2: memref<8x256xf32, #tpu.memory_space<vmem>>) attributes {dimension_semantics = [#tpu.dimension_semantics<arbitrary>], iteration_bounds = array<i64: 128>, scalar_prefetch = 0 : i64, scratch_operands = 0 : i64, tpu.core_type = #tpu.core_type<tc>, window_params = [{transform_indices = @transform_0, window_bounds = array<i64: 8, 128, 256>}, {transform_indices = @transform_1, window_bounds = array<i64: 8, 256>}]} {
    %get3A = arith.constant 0 : index
    %get3A_0 = arith.constant 0 : index
    %get3A_1 = arith.constant 0 : index
    %get3A_2 = vector.load %arg1[%get3A, %get3A_0, %get3A_1] : memref<8x128x256xf32, #tpu.memory_space<vmem>>, vector<8x128x256xf32>
    %reduce_max3A = arith.constant dense<0xFF800000> : vector<8x256xf32>
    %reduce_max3A_3 = vector.multi_reduction <maximumf>, %get3A_2, %reduce_max3A [1] : vector<8x128x256xf32> to vector<8x256xf32>
    %swap3A = arith.constant 0 : index
    %swap3A_4 = arith.constant 0 : index
    %swap3A_5 = vector.load %arg2[%swap3A, %swap3A_4] : memref<8x256xf32, #tpu.memory_space<vmem>>, vector<8x256xf32>
    tpu.vector_store %arg2[%swap3A, %swap3A_4], %reduce_max3A_3 {strides = array<i32>} : memref<8x256xf32, #tpu.memory_space<vmem>>, vector<8x256xf32>,
    return
  }
  func.func @transform_0(%arg0: i32) -> (i32, i32, i32) {
    %c0_i32 = arith.constant 0 : i32
    %c0_i32_0 = arith.constant 0 : i32
    %c0_i32_1 = arith.constant 0 : i32
    return %arg0, %c0_i32, %c0_i32_0 : i32, i32, i32
  }
  func.func @transform_1(%arg0: i32) -> (i32, i32) {
    %c0_i32 = arith.constant 0 : i32
    %c0_i32_0 = arith.constant 0 : i32
    return %arg0, %c0_i32 : i32, i32
  }
}

module attributes {stable_mosaic.version = 14 : i64} {
  func.func @_maxpool_body(%arg0: i32, %arg1: memref<2x512x1024xf32, #tpu.memory_space<vmem>>, %arg2: memref<2x1024xf32, #tpu.memory_space<vmem>>) attributes {dimension_semantics = [#tpu.dimension_semantics<arbitrary>], iteration_bounds = array<i64: 1>, scalar_prefetch = 0 : i64, scratch_operands = 0 : i64, tpu.core_type = #tpu.core_type<tc>, window_params = [{transform_indices = @transform_0, window_bounds = array<i64: 2, 512, 1024>}, {transform_indices = @transform_1, window_bounds = array<i64: 2, 1024>}]} {
    %get3A = arith.constant 0 : index
    %get3A_0 = arith.constant 0 : index
    %get3A_1 = arith.constant 0 : index
    %get3A_2 = vector.load %arg1[%get3A, %get3A_0, %get3A_1] : memref<2x512x1024xf32, #tpu.memory_space<vmem>>, vector<2x512x1024xf32>
    %reduce_max3A = arith.constant dense<0xFF800000> : vector<2x1024xf32>
    %reduce_max3A_3 = vector.multi_reduction <maximumf>, %get3A_2, %reduce_max3A [1] : vector<2x512x1024xf32> to vector<2x1024xf32>
    %swap3A = arith.constant 0 : index
    %swap3A_4 = arith.constant 0 : index
    %swap3A_5 = vector.load %arg2[%swap3A, %swap3A_4] : memref<2x1024xf32, #tpu.memory_space<vmem>>, vector<2x1024xf32>
    tpu.vector_store %arg2[%swap3A, %swap3A_4], %reduce_max3A_3 {strides = array<i32>} : memref<2x1024xf32, #tpu.memory_space<vmem>>, vector<2x1024xf32>,
    return
  }
  func.func @transform_0(%arg0: i32) -> (i32, i32, i32) {
    %c0_i32 = arith.constant 0 : i32
    %c0_i32_0 = arith.constant 0 : i32
    %c0_i32_1 = arith.constant 0 : i32
    return %arg0, %c0_i32, %c0_i32_0 : i32, i32, i32
  }
  func.func @transform_1(%arg0: i32) -> (i32, i32) {
    %c0_i32 = arith.constant 0 : i32
    %c0_i32_0 = arith.constant 0 : i32
    return %arg0, %c0_i32 : i32, i32
  }
}

module attributes {stable_mosaic.version = 14 : i64} {
  func.func @_fc_body(%arg0: i32, %arg1: memref<2x256xf32, #tpu.memory_space<vmem>>, %arg2: memref<256x3xf32, #tpu.memory_space<vmem>>, %arg3: memref<1x3xf32, #tpu.memory_space<vmem>>, %arg4: memref<2x3xf32, #tpu.memory_space<vmem>>) attributes {dimension_semantics = [#tpu.dimension_semantics<arbitrary>], iteration_bounds = array<i64: 1>, scalar_prefetch = 0 : i64, scratch_operands = 0 : i64, tpu.core_type = #tpu.core_type<tc>, window_params = [{pipeline_mode = #tpu.pipeline_mode<synchronous>, transform_indices = @transform_0, window_bounds = array<i64: 2, 256>}, {pipeline_mode = #tpu.pipeline_mode<synchronous>, transform_indices = @transform_1, window_bounds = array<i64: 256, 3>}, {pipeline_mode = #tpu.pipeline_mode<synchronous>, transform_indices = @transform_2, window_bounds = array<i64: 1, 3>}, {pipeline_mode = #tpu.pipeline_mode<synchronous>, transform_indices = @transform_3, window_bounds = array<i64: 2, 3>}]} {
    %get3A = arith.constant 0 : index
    %get3A_0 = arith.constant 0 : index
    %get3A_1 = vector.load %arg1[%get3A, %get3A_0] : memref<2x256xf32, #tpu.memory_space<vmem>>, vector<2x256xf32>
    %get3A_2 = arith.constant 0 : index
    %get3A_3 = arith.constant 0 : index
    %get3A_4 = vector.load %arg2[%get3A_2, %get3A_3] : memref<256x3xf32, #tpu.memory_space<vmem>>, vector<256x3xf32>
    %dot_general3A = arith.constant dense<0.000000e+00> : vector<2x3xf32>
    %dot_general3A_5 = tpu.matmul %get3A_1, %get3A_4, %dot_general3A {dimension_numbers = #tpu.dot_dimension_numbers<[1], [0], [0], [1], [0, 0, 1, 1], [], []>, transpose_lhs_hint = false} : vector<2x256xf32>, vector<256x3xf32>, vector<2x3xf32> -> vector<2x3xf32>
    %get3A_6 = arith.constant 0 : index
    %get3A_7 = arith.constant 0 : index
    %get3A_8 = vector.load %arg3[%get3A_6, %get3A_7] : memref<1x3xf32, #tpu.memory_space<vmem>>, vector<1x3xf32>
    %add3A = vector.broadcast %get3A_8 : vector<1x3xf32> to vector<2x3xf32>
    %add3A_9 = arith.addf %dot_general3A_5, %add3A : vector<2x3xf32>
    %swap3A = arith.constant 0 : index
    %swap3A_10 = arith.constant 0 : index
    %swap3A_11 = vector.load %arg4[%swap3A, %swap3A_10] : memref<2x3xf32, #tpu.memory_space<vmem>>, vector<2x3xf32>
    tpu.vector_store %arg4[%swap3A, %swap3A_10], %add3A_9 {strides = array<i32>} : memref<2x3xf32, #tpu.memory_space<vmem>>, vector<2x3xf32>,
    return
  }
  func.func @transform_0(%arg0: i32) -> (i32, i32) {
    %c0_i32 = arith.constant 0 : i32
    %c0_i32_0 = arith.constant 0 : i32
    %c0_i32_1 = arith.constant 0 : i32
    return %c0_i32, %c0_i32_0 : i32, i32
  }
  func.func @transform_1(%arg0: i32) -> (i32, i32) {
    %c0_i32 = arith.constant 0 : i32
    %c0_i32_0 = arith.constant 0 : i32
    %c0_i32_1 = arith.constant 0 : i32
    return %c0_i32, %c0_i32_0 : i32, i32
  }
  func.func @transform_2(%arg0: i32) -> (i32, i32) {
    %c0_i32 = arith.constant 0 : i32
    %c0_i32_0 = arith.constant 0 : i32
    %c0_i32_1 = arith.constant 0 : i32
    return %c0_i32, %c0_i32_0 : i32, i32
  }
  func.func @transform_3(%arg0: i32) -> (i32, i32) {
    %c0_i32 = arith.constant 0 : i32
    %c0_i32_0 = arith.constant 0 : i32
    %c0_i32_1 = arith.constant 0 : i32
    return %c0_i32, %c0_i32_0 : i32, i32
  }
}

</mosaic_0001>

<sc_bundles>
// kernel: gather_offload_async_start
scs
__scs_entry_jumppad:
0x0: {  	(pc) =	sbr.rel $0x88, $3  }
0x1: {  	(tag) =	ssettag $0x0;
	lr =	simm.s32 $0x1  }
0x2: {  	[smem:$0x3F72] =	sst lr;
	_ =	strace $0xD0000000  }
0x3: {  	_ = 	snop  }
0x4: {  	_ = 	snop  }
0x5: {  	_ = 	snop  }
0x6: {  	_ = 	snop  }
0x7: {  	_ = 	snop  }
__scs_overlays_trampoline_lowered:
0x8: {  	[smem:$0x3F81] =	sst s0  }
0x9: {  	[smem:$0x3F82] =	sst s1  }
0xa: {  	[smem:$0x3F83] =	sst s2  }
0xb: {  	[smem:$0x3F84] =	sst s3  }
0xc: {  	[smem:$0x3F85] =	sst s4  }
0xd: {  	[smem:$0x3F86] =	sst s5  }
0xe: {  	[smem:$0x3F87] =	sst s6  }
0xf: {  	[smem:$0x3F88] =	sst s7  }
0x10: {  	[smem:$0x3F89] =	sst s8  }
0x11: {  	[smem:$0x3F8A] =	sst s9;
	s0 =	simm.s32 @!p0 $0x0  }
0x12: {  	s1 =	sld [smem:$0x3F70];
	s0 =	simm.s32 @p0 $0x1  }
0x13: {  	[smem:$0x3F8B] =	sst s0;
	s0 =	simm.s32 @!p1 $0x0  }
0x14: {  	s2 =	sld [smem:$0x3F6F];
	s0 =	simm.s32 @p1 $0x1  }
0x15: {  	[smem:$0x3F8C] =	sst s0;
	s0 =	simm.s32 @!p2 $0x0  }
0x16: {  	s3 =	sld [smem:$0x3FDB];
	s0 =	simm.s32 @p2 $0x1  }
0x17: {  	s4 =	simm.s32 $0x1BF5;
	[smem:$0x3F8E] =	sst s0  }
0x18: {  	s0 =	sld [smem:$0x3F71];
	_ =	swait.ge [sflag:s4], $0x0  }
0x19: {  	s7 =	sld [smem:$0x3F72]  }
0x1a: {  	s8 =	sadd.s32 $0xFFFFE003, lr  }
0x1b: {  	s9 =	sadd.s32 $0xFFFFFEF7, lr;
	s5 =	simm.s32 $0xFFFFFFFF;
	p2 =	slt.u32 s8, $0xFFFFF086  }
0x1c: {  	p1 =	slt.u32 s9, $0xF7A;
	s5 =	simm.s32 @!p2 $0x0  }
0x1d: {  	s5 =	simm.s32 @p1 $0x1;
	p0 =	seq.s32 s7, s2  }
0x1e: {  	s7 =	smul.u32 @!p0 $0xF7A, s2;
	p2 =	seq.s32 @!p0 s5, $0x0  }
0x1f: {  	s9 =	smul.u32 $0xF7A, s1;
	s8 =	simm.s32 @!p0 $0x1BF5;
	p2 =	por !p2, p0  }
0x20: {  	[sflag:s8] =	ssyncset.s32 @!p0 $0xFFFFF086;
	s6 =	sadd.s32 @!p0 s3, s7;
	s7 =	simm.s32 @!p0 $0x108  }
0x21: {  	s3 =	sadd.s32 s3, s9;
	s6 =	sadd.s32 @!p0 $0x88, s6;
	s7 =	simm.s32 @p2 $0x1082  }
0x22: {  	[simem:s7], [sflag:s8] =	dma.local @!p0 [hbm:s6], $0xF7A  }
0x23: {  	s9 =	sor.u32 $0xD0000000, s2;
	s6 =	simm.s32 $0x108;
	_ =	swait.ge @!p0 [sflag:s8], $0x0  }
0x24: {  	s3 =	sadd.s32 $0x88, s3;
	s6 =	simm.s32 @!p1 $0x1082;
	[sflag:s4] =	ssyncset.s32 $0xFFFFF086  }
0x25: {  	[simem:s6], [sflag:s4] =	dma.local [hbm:s3], $0xF7A  }
0x26: {  	[smem:$0x3F72] =	sst s1;
	(tag) =	ssettag s2;
	_ =	strace s9  }
0x27: {  	s1 =	sld [smem:$0x3F82]  }
0x28: {  	s2 =	sld [smem:$0x3F83]  }
0x29: {  	s4 =	sld [smem:$0x3F85]  }
0x2a: {  	p0 =	seq.s32 s5, $0x0;
	s5 =	sld [smem:$0x3F86]  }
0x2b: {  	s6 =	sld [smem:$0x3F87]  }
0x2c: {  	s7 =	sld [smem:$0x3F88]  }
0x2d: {  	s3 =	simm.s32 $0x108;
	s8 =	sld [smem:$0x3F89]  }
0x2e: {  	s3 =	simm.s32 @!p0 $0x1082;
	s9 =	sld [smem:$0x3F8A]  }
0x2f: {  	lr =	sadd.s32 s0, s3;
	s0 =	sld [smem:$0x3F81]  }
0x30: {  	s3 =	sld [smem:$0x3F84]  }
0x31: {  	[smem:$0x3F8D] =	sst s10  }
0x32: {  	s10 =	sld [smem:$0x3F8B];
	_ =	sdelay $0x3  }
0x33: {  	p0 =	seq.s32 s10, $0x1;
	s10 =	sld [smem:$0x3F8D];
	_ =	sdelay $0x3  }
0x34: {  	[smem:$0x3F8D] =	sst s10  }
0x35: {  	s10 =	sld [smem:$0x3F8C];
	_ =	sdelay $0x3  }
0x36: {  	p1 =	seq.s32 s10, $0x1;
	s10 =	sld [smem:$0x3F8D];
	_ =	sdelay $0x3  }
0x37: {  	[smem:$0x3F8D] =	sst s10  }
0x38: {  	s10 =	sld [smem:$0x3F8E]  }
0x39: {  	_ = 	snop;
	(pc) =	sbr.ind lr, $3  }
0x3a: {  	_ = 	snop  }
0x3b: {  	_ = 	snop  }
0x3c: {  	p2 =	seq.s32 s10, $0x1;
	s10 =	sld [smem:$0x3F8D]  }
0x3d: {  	_ =	shalt  }
0x3e: {  	_ =	shalt  }
0x3f: {  	_ =	shalt  }
0x40: {  	_ =	shalt  }
0x41: {  	_ =	shalt  }
0x42: {  	_ =	shalt  }
0x43: {  	_ =	shalt  }
0x44: {  	_ =	shalt  }
0x45: {  	_ =	shalt  }
0x46: {  	_ =	shalt  }
0x47: {  	_ =	shalt  }
0x48: {  	_ =	shalt  }
0x49: {  	_ =	shalt  }
0x4a: {  	_ =	shalt  }
0x4b: {  	_ =	shalt  }
0x4c: {  	_ =	shalt  }
0x4d: {  	_ =	shalt  }
0x4e: {  	_ =	shalt  }
0x4f: {  	_ =	shalt  }
0x50: {  	_ =	shalt  }
0x51: {  	_ =	shalt  }
0x52: {  	_ =	shalt  }
0x53: {  	_ =	shalt  }
0x54: {  	_ =	shalt  }
0x55: {  	_ =	shalt  }
0x56: {  	_ =	shalt  }
0x57: {  	_ =	shalt  }
0x58: {  	_ =	shalt  }
0x59: {  	_ =	shalt  }
0x5a: {  	_ =	shalt  }
0x5b: {  	_ =	shalt  }
0x5c: {  	_ =	shalt  }
0x5d: {  	_ =	shalt  }
0x5e: {  	_ =	shalt  }
0x5f: {  	_ =	shalt  }
0x60: {  	_ =	shalt  }
0x61: {  	_ =	shalt  }
0x62: {  	_ =	shalt  }
0x63: {  	_ =	shalt  }
0x64: {  	_ =	shalt  }
0x65: {  	_ =	shalt  }
0x66: {  	_ =	shalt  }
0x67: {  	_ =	shalt  }
0x68: {  	_ =	shalt  }
0x69: {  	_ =	shalt  }
0x6a: {  	_ =	shalt  }
0x6b: {  	_ =	shalt  }
0x6c: {  	_ =	shalt  }
0x6d: {  	_ =	shalt  }
0x6e: {  	_ =	shalt  }
0x6f: {  	_ =	shalt  }
0x70: {  	_ =	shalt  }
0x71: {  	_ =	shalt  }
0x72: {  	_ =	shalt  }
0x73: {  	_ =	shalt  }
0x74: {  	_ =	shalt  }
0x75: {  	_ =	shalt  }
0x76: {  	_ =	shalt  }
0x77: {  	_ =	shalt  }
0x78: {  	_ =	shalt  }
0x79: {  	_ =	shalt  }
0x7a: {  	_ =	shalt  }
0x7b: {  	_ =	shalt  }
0x7c: {  	_ =	shalt  }
0x7d: {  	_ =	shalt  }
0x7e: {  	_ =	shalt  }
0x7f: {  	_ =	shalt  }
0x80: {  	_ =	shalt  }
0x81: {  	_ =	shalt  }
0x82: {  	_ =	shalt  }
0x83: {  	_ =	shalt  }
0x84: {  	_ =	shalt  }
0x85: {  	_ =	shalt  }
0x86: {  	_ =	shalt  }
0x87: {  	_ =	shalt  }
.Lfunc_end0:
.L_simem_size_0:
called_computation.3_lowered:
.L_overlay_start_0:
0x88: {  	s2 =	sld [smem:$0x3FD9]  }
0x89: {  	s3 =	sld [smem:$0x3FFE];
	_ =	sdelay $0x1  }
0x8a: {  	s1 =	srdreg.scid  }
0x8b: {  	s0 =	sand.u32 $0x1, s1  }
0x8c: {  	s16 =	sshll.u32 s0, $0xA;
	s2 =	sadd.s32 s3, s2  }
0x8d: {  	s2 =	sadd.s32 s2, s16  }
0x8e: {  	[smem:$0x3F99] =	sst s2  }
0x8f: {  	_ = 	snop  }
0x90: {  	(tm) =	ssettm $0x1  }
0x91: {  	s17 =	sld [smem:$0x3FFB];
	_ =	sdelay $0x3  }
0x92: {  	_ =	strace s17  }
0x93: {  	s2 =	sld [smem:$0x3FFC];
	_ =	sdelay $0x3  }
0x94: {  	_ =	strace s2  }
0x95: {  	s2 =	sld [smem:$0x3FFD];
	_ =	sdelay $0x3  }
0x96: {  	_ =	strace s2  }
0x97: {  	_ =	strace $0x8FFFFFFF  }
0x98: {  	s18 =	sld [smem:$0x3FDB];
	_ =	sdelay $0x1  }
0x99: {  	s19 =	simm.s32 $_scs_section_size  }
0x9a: {  	s4 =	simm.s32 $_size__tile_overlayer_lowered;
	s5 =	simm.s32 $_tile_overlayer_lowered  }
0x9b: {  	s22 =	simm.s32 $0x1BFF;
	s21 =	sshll.u32 s5, $0x1;
	s2 =	sadd.s32 s19, s18  }
0x9c: {  	s6 =	simm.s32 $0x0;
	s20 =	sshll.u32 s4, $0x1;
	s4 =	sadd.s32 s21, s2  }
0x9d: {  	[timem:s6], [sflag:s22] =	dma.local [hbm:s4], s20  }
0x9e: {  	_ =	swait.ge [sflag:s22], s20  }
0x9f: {  	s3 =	ssub.s32 $0x0, s20;
	[sflag:s22] =	ssyncset.done $0x0  }
0xa0: {  	[sflag:s22] =	ssyncadd.s32 s3;
	_ =	sdelay $0x1  }
0xa1: {  	s23 =	simm.s32 $0x1B8B  }
0xa2: {  	_ =	swait.ge [sflag:s23], $0x1  }
0xa3: {  	[sflag:s23] =	ssyncset.done $0x0  }
0xa4: {  	s25 =	simm.s32 $0x1B8E;
	s24 =	sld [smem:$0x3FFE];
	[sflag:s23] =	ssyncadd.s32 $0xFFFFFFFF  }
0xa5: {  	s26 =	simm.s32 $execute0_lowered;
	[smem:$0x3FD2] =	sst s25  }
0xa6: {  	s4 =	sshll.u32 s26, $0x1;
	_ =	strace $0x80000046;
	[dreg:$0x1] =	wrdreg $0xFFFFFFFF  }
0xa7: {  	s28 =	simm.s32 $_size_execute0_lowered;
	s2 =	sadd.s32 s2, s4;
	[dreg:$0x0] =	wrdreg $0x0  }
0xa8: {  	s4 =	sshll.u32 s28, $0x1;
	[dreg:$0x2] =	wrdreg s2  }
0xa9: {  	[dreg:$0x3] =	wrdreg s4  }
0xaa: {  	[dreg:$0x4] =	wrdreg $0xC0  }
0xab: {  	_ =	task [dreg:s6], $0x5FFFF  }
0xac: {  	[dreg:$0x1] =	wrdreg $0xFFFFFFFF  }
0xad: {  	[dreg:$0x0] =	wrdreg $0x60  }
0xae: {  	[dreg:$0x2] =	wrdreg s24  }
0xaf: {  	[dreg:$0x3] =	wrdreg $0x9  }
0xb0: {  	_ =	task.clear_ibuf [dreg:s6], $0x4FFFF;
	_ =	strace $0x90000046  }
0xb1: {  	s29 =	simm.s32 $0x9;
	_ =	strace $0x80000048  }
0xb2: {  	_ =	swait.ge [sflag:s29], $0x1  }
0xb3: {  	[sflag:s29] =	ssyncadd.s32 $0xFFFFFFFF  }
0xb4: {  	_ =	strace $0x90000048  }
0xb5: {  	_ =	sfence  }
0xb6: {  	s30 =	sld [smem:$0x0];
	_ =	sdelay $0x2  }
0xb7: {  	s31 =	sshll.u32 s1, $0xD;
	s1 =	sshrl.u32 s1, $0x2  }
0xb8: {  	s3 =	sand.u32 $0x4000, s31;
	s1 =	sadd.s32 s1, s30  }
0xb9: {  	s0 =	sor.u32 s3, s0;
	s1 =	sshll.u32 s1, $0x11  }
0xba: {  	s0 =	sor.u32 s1, s0  }
0xbb: {  	s0 =	sadd.s32 $0x8F2B, s0  }
0xbc: {  	[sflag:s0] =	ssyncadd.remote.s32 $0x1  }
0xbd: {  	_ =	sfence.sel $0xFFFF  }
0xbe: {  	[dreg:$0x0] =	wrdreg $0xFFFFFFFF;
	(pc) =	sbr.abs _section_cstart, $3  }
0xbf: {  	[dreg:$0x1] =	wrdreg $0xFFFFFFFF  }
0xc0: {  	_ =	task.clear_ibuf [dreg:s6], $0x2FFFF;
	_ =	strace $0x9FFFFFFF  }
0xc1: {  	(tm) =	ssettm $0x7FFFFFFF  }
tec
execute0_lowered:
.L_overlay_start_1:
0x0: {  	(tag) =	ssettag $0x1  }
0x1: {  	s2 =	rddreg [dreg:$0x0]  }
0x2: {  	s0 =	rddreg [dreg:$0x1]  }
0x3: {  	s1 =	srdreg.scid;
	_ =	strace $0x80000047;
	s4 =	simm.s32 $0x1  }
0x4: {  	s9 =	simm.s32 $0x3;
	s12 =	simm.s32 $0x0;
	s5 =	sshll.u32 s1, $0x4  }
.Ltmp0:
0x5: {  	s1 =	stileid.u32;
	s5 =	sand.u32 $0x10, s5;
	(pc) =	sbr.rel .LBB2_1-.Ltmp0, $4  }
0x6: {  	s10 =	simm.s32 $0x0;
	s3 =	sadd.s32 $0x20000, s2;
	s6 =	sor.u32 s1, s5  }
0x7: {  	[sflag:s4] =	ssyncpa.u1 $0x0;
	s5 =	simm.s32 $0x2;
	s6 =	sshll.u32 s6, $0x7  }
0x8: {  	s7 =	sadd.s32 $0x20200, s2;
	[sflag:s5] =	ssyncpa.u1 $0x0;
	s8 =	sadd.s32 $0x80, s6  }
0x9: {  	vm0 =	vmmov $0xff;
	vm1 =	vcmask $0x3F20;
	[sflag:s9] =	ssyncpa.u1 $0x0;
	s9 =	simm.s32 $0x80;
	s11 =	smov.u32 s6  }
.LBB2_9:
0xa: {  	p0 =	seq.s32 s10, $0x2  }
.Ltmp1:
0xb: {  	_ = 	snop;
	(pc) =	sbr.rel @p0 .LBB2_11-.Ltmp1, $1  }
0xc: {  	_ =	sdelay $0x3  }
.LBB2_10:
0xd: {  	s12 =	sadd.s32 $0x80, s11  }
0xe: {  	s13 =	smov.u32 s6;
	p0 =	slt.s32 s12, s8  }
0xf: {  	s13 =	smov.u32 @p0 s12  }
0x10: {  	s10 =	sadd.s32 $0x1, s10;
	s12 =	smov.u32 s11;
	s11 =	smov.u32 s13  }
.LBB2_1:
0x11: {  	p0 =	sne.s32 s10, $0x0  }
.Ltmp2:
0x12: {  	_ = 	snop;
	(pc) =	sbr.rel @!p0 .LBB2_2-.Ltmp2, $1  }
0x13: {  	_ =	sdelay $0x3  }
0x14: {  	s13 =	sand.u32 $0x1, s10  }
0x15: {  	p0 =	seq.s32 s13, $0x0  }
.Ltmp3:
0x16: {  	_ = 	snop;
	(pc) =	sbr.rel @p0 .LBB2_9-.Ltmp3, $1  }
0x17: {  	_ =	sdelay $0x3  }
0x18: {  	_ =	swait.ge [sflag:s5], $0x80  }
0x19: {  	[sflag:s5] =	ssyncset.done $0x0  }
0x1a: {  	s13 =	simm.s32 $0x0;
	[sflag:s5] =	ssyncadd.s32 $0xFFFFFF80  }
0x1b: {  	v0 =	vld.msk [tilespmem:s13+$0x80 ss:$0x1], $0xffff;
	_ =	sdelay $0x4  }
0x1c: {  	v1 =	vshll.u32 v0, $0x6  }
0x1d: {  	vm2 =	veq.s32 v0, $0x80000000;
	v0 =	vshll.u32 v0, $0x13;
	v1 =	vand.u32 $0x7FF80, v1  }
0x1e: {  	v0 =	vand.u32 $0x80000, v0;
	v1 =	vsel vm2, $0xFFFFFF80, v1  }
0x1f: {  	v0 =	vsel vm2, $0xFFF80000, v0;
	v2 =	vand.u32 $0xFFFFFC00, v1  }
0x20: {  	v1 =	vand.u32 $0x380, v1;
	v0 =	vadd.s32 v0, v2  }
0x21: {  	v0 =	vor.u32 v1, v0  }
0x22: {  	v0 =	vshrl.u32 v0, $0x3;
	_ =	sdelay $0x3  }
0x23: {  	s13 =	simm.s32 $0x4100  }
0x24: {  	[tilespmem:s13], [sflag:$0x1] =	stream.indirect_vreg.gather [hbm:s2], $0x80, v0, vm0, $0x38;
	[tilespmem:$0x8100] =	vst v63  }
0x25: {  	s14 =	simm.s32 $0x4500;
	s31 =	simm.s32 $0x10  }
0x26: {  	[tilespmem:s14], [sflag:$0x1] =	stream.indirect_vreg.gather [hbm:s2], $0x80, v0, vm1, $0x38;
	[tilespmem:$0x8100] =	vst v63  }
0x27: {  	s14 =	simm.s32 $0x80;
	v0 =	vld.msk [tilespmem:s31+$0x80 ss:$0x1], $0xffff  }
.LBB2_5:
0x28: {  	p0 =	sne.s32 s14, $0x1C0;
	_ =	sdelay $0x4  }
0x29: {  	v1 =	vshll.u32 v0, $0x6  }
0x2a: {  	vm2 =	veq.s32 v0, $0x80000000;
	v0 =	vshll.u32 v0, $0x13;
	v1 =	vand.u32 $0x7FF80, v1  }
0x2b: {  	v0 =	vand.u32 $0x80000, v0;
	v1 =	vsel vm2, $0xFFFFFF80, v1  }
0x2c: {  	v0 =	vsel vm2, $0xFFF80000, v0;
	v2 =	vand.u32 $0xFFFFFC00, v1  }
0x2d: {  	v1 =	vand.u32 $0x380, v1;
	v0 =	vadd.s32 v0, v2  }
0x2e: {  	v0 =	vor.u32 v1, v0  }
0x2f: {  	v0 =	vshrl.u32 v0, $0x3;
	_ =	sdelay $0x3  }
.Ltmp4:
0x30: {  	s13 =	sadd.s32 $0x800, s13;
	(pc) =	sbr.rel @p0 .LBB2_5-.Ltmp4, $4  }
0x31: {  	[tilespmem:s13], [sflag:$0x1] =	stream.indirect_vreg.gather [hbm:s2], $0x80, v0, vm0, $0x38;
	[tilespmem:$0x8100] =	vst v63  }
0x32: {  	s15 =	sshra.s32 s14, $0x2;
	s16 =	sadd.s32 $0x400, s13  }
0x33: {  	[tilespmem:s16], [sflag:$0x1] =	stream.indirect_vreg.gather [hbm:s2], $0x80, v0, vm1, $0x38;
	[tilespmem:$0x8100] =	vst v63  }
0x34: {  	s14 =	sadd.s32 $0x40, s14;
	v0 =	vld.msk [tilespmem:s15+$0x80 ss:$0x1], $0xffff  }
0x35: {  	_ =	sdelay $0x3  }
0x36: {  	v1 =	vshll.u32 v0, $0x6  }
0x37: {  	vm2 =	veq.s32 v0, $0x80000000;
	v63 =	vshll.u32 v0, $0x13;
	v1 =	vand.u32 $0x7FF80, v1  }
0x38: {  	v0 =	vand.u32 $0x80000, v63;
	v1 =	vsel vm2, $0xFFFFFF80, v1  }
0x39: {  	v0 =	vsel vm2, $0xFFF80000, v0;
	v2 =	vand.u32 $0xFFFFFC00, v1  }
0x3a: {  	v1 =	vand.u32 $0x380, v1;
	v0 =	vadd.s32 v0, v2  }
0x3b: {  	v0 =	vor.u32 v1, v0  }
0x3c: {  	v0 =	vshrl.u32 v0, $0x3;
	_ =	sdelay $0x3  }
0x3d: {  	s13 =	sadd.s32 $0x800, s13  }
0x3e: {  	[tilespmem:s13], [sflag:$0x1] =	stream.indirect_vreg.gather [hbm:s2], $0x80, v0, vm0, $0x38;
	[tilespmem:$0x8100] =	vst v63  }
0x3f: {  	s13 =	sadd.s32 $0x400, s13  }
0x40: {  	[tilespmem:s13], [sflag:$0x1] =	stream.indirect_vreg.gather [hbm:s2], $0x80, v0, vm1, $0x38;
	[tilespmem:$0x8100] =	vst v63  }
0x41: {  	s12 =	sshll.u32 s12, $0x4;
	s14 =	simm.s32 $0x80;
	_ =	swait.ge [sflag:s4], $0x4000  }
0x42: {  	s15 =	simm.s32 $0x4500;
	s12 =	sadd.s32 s12, s7;
	[sflag:s4] =	ssyncset.done $0x0  }
0x43: {  	s16 =	sadd.s32 $0x0, s12;
	s13 =	simm.s32 $0x4100;
	[sflag:s4] =	ssyncadd.s32 $0xFFFFC000  }
.LBB2_7:
0x44: {  	[hbm:s16] =	stream.linear.scatter [tilespmem:s13], [sflag:$0x3], $0x400, $0x38;
	[tilespmem:$0x8100] =	vst v63  }
0x45: {  	s16 =	smov.u32 s14;
	s13 =	smov.u32 s15;
	p0 =	sne.s32 s14, $0x780  }
.Ltmp5:
0x46: {  	s14 =	sadd.s32 $0x80, s14;
	(pc) =	sbr.rel @p0 .LBB2_7-.Ltmp5, $2  }
0x47: {  	_ =	sdelay $0x2  }
0x48: {  	s15 =	sadd.s32 $0x400, s15;
	s16 =	sadd.s32 s16, s12  }
.Ltmp6:
0x49: {  	(pc) =	sbr.rel .LBB2_9-.Ltmp6, $2  }
0x4a: {  	_ =	sdelay $0x2  }
0x4b: {  	[hbm:s16] =	stream.linear.scatter [tilespmem:s13], [sflag:$0x3], $0x400, $0x38;
	[tilespmem:$0x8100] =	vst v63  }
.LBB2_2:
.Ltmp7:
0x4c: {  	(pc) =	sbr.rel .LBB2_10-.Ltmp7, $4  }
0x4d: {  	_ = 	snop  }
0x4e: {  	s12 =	sshrl.u32 s11, $0x3  }
0x4f: {  	s13 =	sand.u32 $0x7, s11;
	s12 =	sadd.s32 s3, s12  }
0x50: {  	[tilespmem:s9], [sflag:$0x2] =	stream.linear.gather [hbm4b:s12+s13], $0x80, $0x38;
	[tilespmem:$0x8100] =	vst v63  }
.LBB2_11:
0x51: {  	s2 =	simm.s32 $0x3  }
0x52: {  	_ =	swait.ge [sflag:s2], $0x4000  }
0x53: {  	[sflag:s2] =	ssyncset.done $0x0  }
0x54: {  	[sflag:s2] =	ssyncadd.s32 $0xFFFFC000  }
0x55: {  	_ =	sfence.sel $0x180000  }
0x56: {  	s3 =	simm.s32 $0x2;
	[bflag:$0x0] =	sbarrier.arrive $0xFFFF  }
0x57: {  	[sflag:s3] =	ssyncpa.u1 $0x1  }
0x58: {  	s31 =	simm.s32 $0x1;
	[sflag:s2] =	ssyncpa.u1 $0x1  }
0x59: {  	[sflag:s31] =	ssyncpa.u1 $0x1  }
0x5a: {  	p0 =	sne.s32 s1, $0x0;
	_ =	strace $0x90000047  }
0x5b: {  	s0 =	sadd.s32 @!p0 $0x100000, s0;
	[bflag:$0x2] =	sbarrier.arrive $0xFFFF  }
0x5c: {  	[sflag:s0] =	ssyncadd.tile.s32 @!p0 $0x1;
	_ =	shalt  }
.Lfunc_end2:
_tile_overlayer_lowered:
.L_overlay_start_2:
0x5d: {  	(tag) =	ssettag $0x2  }
0x5e: {  	s0 =	rddreg [dreg:$0x0];
	s2 =	stileid.u32  }
0x5f: {  	s1 =	rddreg [dreg:$0x1];
	p0 =	sne.s32 s2, $0x0  }
0x60: {  	s3 =	rddreg [dreg:$0x2];
	[bflag:$0x3] =	sbarrier.arrive $0xFFFF;
	s2 =	simm.s32 @!p0 $0x1C01  }
0x61: {  	[timem:s3], [sflag:s2] =	dma.local @!p0 [hbm:s0], s1  }
0x62: {  	s0 =	simm.s32 @!p0 $0x1  }
0x63: {  	_ =	swait.ge @!p0 [sflag:s0], s1  }
0x64: {  	s1 =	ssub.s32 @!p0 $0x0, s1;
	[sflag:s0] =	ssyncset.done @!p0 $0x0  }
0x65: {  	[sflag:s0] =	ssyncadd.s32 @!p0 s1  }
0x66: {  	[bflag:$0x3] =	sbarrier.arrive $0xFFFF  }
0x67: {  	_ =	shalt  }

// kernel: sparse-core-data-format-call.1.cloned.1.call-start
scs
called_computation.1_lowered:
.L_overlay_start_0:
0x0: {  	s1 =	sld [smem:$0x3FD9]  }
0x1: {  	s2 =	sld [smem:$0x3FFE];
	_ =	sdelay $0x1  }
0x2: {  	s3 =	srdreg.scid  }
0x3: {  	s0 =	sand.u32 $0x1, s3  }
0x4: {  	s17 =	sshll.u32 s0, $0xA;
	s1 =	sadd.s32 s2, s1  }
0x5: {  	s1 =	sadd.s32 s1, s17  }
0x6: {  	[smem:$0x3F99] =	sst s1  }
0x7: {  	_ = 	snop  }
0x8: {  	(tm) =	ssettm $0x1  }
0x9: {  	s18 =	sld [smem:$0x3FFB];
	_ =	sdelay $0x3  }
0xa: {  	_ =	strace s18  }
0xb: {  	s1 =	sld [smem:$0x3FFC];
	_ =	sdelay $0x3  }
0xc: {  	_ =	strace s1  }
0xd: {  	s1 =	sld [smem:$0x3FFD];
	_ =	sdelay $0x3  }
0xe: {  	_ =	strace s1  }
0xf: {  	_ =	strace $0x8FFFFFFF  }
0x10: {  	s19 =	sld [smem:$0x3FDB];
	_ =	sdelay $0x1  }
0x11: {  	s20 =	simm.s32 $_scs_section_size  }
0x12: {  	s4 =	simm.s32 $_size__tile_overlayer_lowered;
	s5 =	simm.s32 $_tile_overlayer_lowered  }
0x13: {  	s23 =	simm.s32 $0x1BFF;
	s22 =	sshll.u32 s5, $0x1;
	s1 =	sadd.s32 s20, s19  }
0x14: {  	s6 =	simm.s32 $0x0;
	s21 =	sshll.u32 s4, $0x1;
	s4 =	sadd.s32 s22, s1  }
0x15: {  	[timem:s6], [sflag:s23] =	dma.local [hbm:s4], s21  }
0x16: {  	_ =	swait.ge [sflag:s23], s21  }
0x17: {  	s2 =	ssub.s32 $0x0, s21;
	[sflag:s23] =	ssyncset.done $0x0  }
0x18: {  	[sflag:s23] =	ssyncadd.s32 s2;
	_ =	sdelay $0x1  }
0x19: {  	s24 =	simm.s32 $0x1B8B  }
0x1a: {  	_ =	swait.ge [sflag:s24], $0x1  }
0x1b: {  	[sflag:s24] =	ssyncset.done $0x0  }
0x1c: {  	s26 =	simm.s32 $0x1B8E;
	s25 =	sld [smem:$0x3FFE];
	[sflag:s24] =	ssyncadd.s32 $0xFFFFFFFF  }
0x1d: {  	s27 =	simm.s32 $execute0_lowered;
	[smem:$0x3FD2] =	sst s26  }
0x1e: {  	s4 =	sshll.u32 s27, $0x1;
	_ =	strace $0x8000004C;
	[dreg:$0x1] =	wrdreg $0xFFFFFFFF  }
0x1f: {  	s28 =	simm.s32 $_size_execute0_lowered;
	s1 =	sadd.s32 s1, s4;
	[dreg:$0x0] =	wrdreg $0x0  }
0x20: {  	s4 =	sshll.u32 s28, $0x1;
	[dreg:$0x2] =	wrdreg s1  }
0x21: {  	[dreg:$0x3] =	wrdreg s4  }
0x22: {  	[dreg:$0x4] =	wrdreg $0xC0  }
0x23: {  	_ =	task [dreg:s6], $0x5FFFF  }
0x24: {  	[dreg:$0x1] =	wrdreg $0xFFFFFFFF  }
0x25: {  	[dreg:$0x0] =	wrdreg $0x60  }
0x26: {  	[dreg:$0x2] =	wrdreg s25  }
0x27: {  	[dreg:$0x3] =	wrdreg $0x9  }
0x28: {  	_ =	task.clear_ibuf [dreg:s6], $0x4FFFF;
	_ =	strace $0x9000004C  }
0x29: {  	s29 =	simm.s32 $0x9;
	_ =	strace $0x8000004E  }
0x2a: {  	_ =	swait.ge [sflag:s29], $0x1  }
0x2b: {  	[sflag:s29] =	ssyncadd.s32 $0xFFFFFFFF  }
0x2c: {  	_ =	strace $0x9000004E  }
0x2d: {  	_ =	sfence  }
0x2e: {  	s30 =	sld [smem:$0x0];
	_ =	sdelay $0x2  }
0x2f: {  	s31 =	sshll.u32 s3, $0xD;
	s3 =	sshrl.u32 s3, $0x2  }
0x30: {  	s2 =	sand.u32 $0x4000, s31;
	s1 =	sadd.s32 s3, s30  }
0x31: {  	s0 =	sor.u32 s2, s0;
	s1 =	sshll.u32 s1, $0x11  }
0x32: {  	s0 =	sor.u32 s1, s0  }
0x33: {  	s0 =	sadd.s32 $0x8F2B, s0  }
0x34: {  	[sflag:s0] =	ssyncadd.remote.s32 $0x1  }
0x35: {  	_ =	sfence.sel $0xFFFF  }
0x36: {  	[dreg:$0x0] =	wrdreg $0xFFFFFFFF;
	(pc) =	sbr.abs _section_cstart, $3  }
0x37: {  	[dreg:$0x1] =	wrdreg $0xFFFFFFFF  }
0x38: {  	_ =	task.clear_ibuf [dreg:s6], $0x2FFFF;
	_ =	strace $0x9FFFFFFF  }
0x39: {  	(tm) =	ssettm $0x7FFFFFFF  }
tec
execute0_lowered:
.L_overlay_start_1:
0x0: {  	(tag) =	ssettag $0x1  }
0x1: {  	s4 =	rddreg [dreg:$0x0]  }
0x2: {  	s0 =	rddreg [dreg:$0x1];
	s2 =	srdreg.scid  }
0x3: {  	_ =	strace $0x8000004D;
	s1 =	stileid.u32;
	s9 =	simm.s32 $0x2  }
0x4: {  	s15 =	simm.s32 $0x0;
	p0 =	por $0x0, $0x0;
	s10 =	simm.s32 $0x2000  }
0x5: {  	s16 =	simm.s32 $0x0;
	s17 =	simm.s32 $0x0;
	s11 =	simm.s32 $0x0  }
0x6: {  	s14 =	simm.s32 $0x0;
	s3 =	sshll.u32 s2, $0x4;
	s2 =	sadd.s32 $0x30200, s4  }
0x7: {  	s4 =	sadd.s32 $0x430600, s4;
	s5 =	sand.u32 $0x10, s3;
	s3 =	sand.u32 $0x1, s1  }
.Ltmp0:
0x8: {  	s6 =	sor.u32 s1, s5;
	s7 =	ssub.s32 $0x2, s3;
	(pc) =	sbr.rel .LBB1_1-.Ltmp0, $4  }
0x9: {  	s5 =	simm.s32 $0x1;
	s8 =	sshrl.u32 s7, $0x1;
	s7 =	sand.u32 $0x1, s7  }
0xa: {  	s13 =	smov.u32 s3;
	[sflag:s5] =	ssyncpa.u1 $0x0;
	s7 =	sadd.s32 s7, s8  }
0xb: {  	s6 =	sshrl.u32 s6, $0x1;
	[sflag:s9] =	ssyncpa.u1 $0x0;
	s7 =	sshll.u32 s7, $0x6  }
0xc: {  	s9 =	simm.s32 $0x80;
	s12 =	smov.u32 s6;
	s8 =	sor.u32 $0x1, s7  }
.LBB1_4:
0xd: {  	_ =	sdelay $0x3  }
0xe: {  	[tilespmem:v0+s19+$0xFFFFFFA0 ss:$0x1] =	vst.idx.msk $0xffff, v6  }
0xf: {  	v56 =	vld.idx.msk [tilespmem:v1+s20+$0x30 ss:$0x1], $0xffff;
	[tilespmem:v0+s19+$0xFFFFFFB0 ss:$0x1] =	vst.idx.msk $0xffff, v4  }
0x10: {  	v57 =	vld.idx.msk [tilespmem:v1+s20+$0xFFFFFFC0 ss:$0x1], $0xffff;
	[tilespmem:v0+s19+$0xFFFFFFC0 ss:$0x1] =	vst.idx.msk $0xffff, v2  }
0x11: {  	v58 =	vld.idx.msk [tilespmem:v1+s20+$0xFFFFFFD0 ss:$0x1], $0xffff;
	[tilespmem:v0+s19+$0xFFFFFFD0 ss:$0x1] =	vst.idx.msk $0xffff, v3  }
0x12: {  	v59 =	vld.idx.msk [tilespmem:v1+s20+$0xFFFFFFE0 ss:$0x1], $0xffff;
	[tilespmem:v0+s19+$0xFFFFFFE0 ss:$0x1] =	vst.idx.msk $0xffff, v5  }
0x13: {  	v60 =	vld.idx.msk [tilespmem:v1+s20+$0xFFFFFFF0 ss:$0x1], $0xffff;
	[tilespmem:v0+s19+$0xFFFFFFF0 ss:$0x1] =	vst.idx.msk $0xffff, v7  }
0x14: {  	v61 =	vld.idx.msk [tilespmem:v1+s20+$0x0 ss:$0x1], $0xffff;
	[tilespmem:v0+s20+$0x0 ss:$0x1] =	vst.idx.msk $0xffff, v56  }
0x15: {  	v62 =	vld.idx.msk [tilespmem:v1+s20+$0x10 ss:$0x1], $0xffff;
	[tilespmem:v0+s20+$0xFFFFFF90 ss:$0x1] =	vst.idx.msk $0xffff, v57  }
0x16: {  	v63 =	vld.idx.msk [tilespmem:v1+s20+$0x20 ss:$0x1], $0xffff;
	[tilespmem:v0+s20+$0xFFFFFFA0 ss:$0x1] =	vst.idx.msk $0xffff, v58  }
0x17: {  	[tilespmem:v0+s20+$0xFFFFFFB0 ss:$0x1] =	vst.idx.msk $0xffff, v59  }
0x18: {  	s17 =	sshll.u32 s17, $0x15;
	[tilespmem:v0+s20+$0xFFFFFFC0 ss:$0x1] =	vst.idx.msk $0xffff, v60  }
0x19: {  	s15 =	sshll.u32 s15, $0xA;
	s16 =	sshll.u32 s16, $0x4;
	s17 =	sadd.s32 s4, s17;
	[tilespmem:v0+s20+$0xFFFFFFD0 ss:$0x1] =	vst.idx.msk $0xffff, v61  }
0x1a: {  	s16 =	sand.u32 $0x3F0, s16;
	s15 =	sadd.s32 s15, s17;
	[tilespmem:v0+s20+$0xFFFFFFE0 ss:$0x1] =	vst.idx.msk $0xffff, v62  }
0x1b: {  	s15 =	sadd.s32 s16, s15;
	[tilespmem:v0+s20+$0xFFFFFFF0 ss:$0x1] =	vst.idx.msk $0xffff, v63  }
0x1c: {  	[hbm4b:s15+s9] =	stream.strided.scatter [tilespmem:s18], [sflag:$0x2], $0x4000, s10, s9, $0x38;
	[tilespmem:$0x10000] =	vst v63  }
.LBB1_5:
0x1d: {  	s18 =	sadd.s32 $0x80, s11  }
0x1e: {  	s15 =	sadd.s32 $0x10, s12;
	s19 =	smov.u32 s12;
	p2 =	sgt.s32 s18, $0x7FF  }
0x1f: {  	s19 =	smov.u32 @p2 s15  }
0x20: {  	s21 =	smov.u32 s13;
	s15 =	sadd.s32 $0x2, s13;
	p3 =	sgt.s32 s19, $0x3F  }
0x21: {  	s21 =	smov.u32 @p3 s15  }
0x22: {  	s18 =	simm.s32 @p2 $0x0;
	p2 =	sgt.s32 s21, $0x1  }
0x23: {  	p1 =	slt.u32 s14, $0x2;
	s21 =	smov.u32 @p2 s3;
	p2 =	sne.s32 s14, s8  }
.Ltmp1:
0x24: {  	s20 =	simm.s32 @!p1 $0x2;
	(pc) =	sbr.rel @!p2 .LBB1_6-.Ltmp1, $4  }
0x25: {  	s16 =	smov.u32 s12;
	s17 =	smov.u32 s13;
	_ =	swait.ge @!p1 [sflag:s20], $0x4000  }
0x26: {  	p0 =	por !p0, !p0;
	[sflag:s20] =	ssyncset.done @!p1 $0x0;
	s19 =	smov.u32 @p3 s6  }
0x27: {  	s15 =	smov.u32 s11;
	[sflag:s20] =	ssyncadd.s32 @!p1 $0xFFFFC000;
	s11 =	smov.u32 s18  }
0x28: {  	s12 =	smov.u32 s19;
	s14 =	sadd.s32 $0x1, s14;
	s13 =	smov.u32 s21  }
.LBB1_1:
0x29: {  	p1 =	sge.u32 s14, s7  }
0x2a: {  	s31 =	sadd.s32 $0xFFFFFFFF, s14;
	s18 =	sxor.u32 @!p1 $0xFFFFFFFF, s14;
	s19 =	sshll.u32 @!p1 s13, $0x15  }
0x2b: {  	s20 =	sshll.u32 @!p1 s12, $0xF;
	s21 =	sshll.u32 @!p1 s11, $0x4;
	s19 =	sadd.s32 @!p1 s2, s19  }
0x2c: {  	s18 =	sshll.u32 @!p1 s18, $0xE;
	s21 =	sand.u32 @!p1 $0x7FF0, s21;
	s19 =	sadd.s32 @!p1 s20, s19  }
0x2d: {  	s18 =	sand.u32 @!p1 $0x4000, s18;
	s20 =	simm.s32 @!p1 $0x0;
	s19 =	sadd.s32 @!p1 s21, s19  }
0x2e: {  	[tilespmem:s18], [sflag:$0x1] =	stream.linear.gather @!p1 [hbm4b:s19+s20], $0x4000, $0x38;
	[tilespmem:$0x10000] =	vst v63  }
0x2f: {  	p1 =	sge.u32 s31, s7  }
.Ltmp2:
0x30: {  	_ = 	snop;
	(pc) =	sbr.rel @p1 .LBB1_5-.Ltmp2, $1  }
0x31: {  	_ =	sdelay $0x3  }
0x32: {  	s18 =	simm.s32 $0x1  }
0x33: {  	s18 =	simm.s32 @!p0 $0x0  }
0x34: {  	s18 =	sshll.u32 s18, $0xE  }
0x35: {  	s19 =	sor.u32 $0x40, s18  }
0x36: {  	v1 =	vmov s19;
	_ =	sdelay $0x1  }
0x37: {  	_ =	swait.ge [sflag:s5], $0x4000  }
0x38: {  	[sflag:s5] =	ssyncset.done $0x0  }
0x39: {  	[sflag:s5] =	ssyncadd.s32 $0xFFFFC000;
	s19 =	simm.s32 $0x0  }
0x3a: {  	s18 =	sor.u32 $0x8070, s18;
	v7 =	vld.idx.msk [tilespmem:v1+s19+$0x30 ss:$0x1], $0xffff  }
0x3b: {  	v0 =	vmov s18;
	v8 =	vld.idx.msk [tilespmem:v1+s19+$0xFFFFFFC0 ss:$0x1], $0xffff  }
0x3c: {  	v6 =	vld.idx.msk [tilespmem:v1+s19+$0xFFFFFFD0 ss:$0x1], $0xffff  }
0x3d: {  	v4 =	vld.idx.msk [tilespmem:v1+s19+$0xFFFFFFE0 ss:$0x1], $0xffff  }
0x3e: {  	v2 =	vld.idx.msk [tilespmem:v1+s19+$0xFFFFFFF0 ss:$0x1], $0xffff  }
0x3f: {  	s31 =	sshll.u32 s14, $0xE;
	v3 =	vld.idx.msk [tilespmem:v1+s19+$0x0 ss:$0x1], $0xffff  }
0x40: {  	s18 =	sand.u32 $0x4000, s31;
	v5 =	vld.idx.msk [tilespmem:v1+s19+$0x10 ss:$0x1], $0xffff;
	[tilespmem:v0+s19+$0x0 ss:$0x1] =	vst.idx.msk $0xffff, v7  }
0x41: {  	s20 =	simm.s32 $0x80;
	s21 =	simm.s32 $0x400;
	s18 =	sor.u32 $0x8000, s18;
	[tilespmem:v0+s19+$0xFFFFFF90 ss:$0x1] =	vst.idx.msk $0xffff, v8;
	v7 =	vld.idx.msk [tilespmem:v1+s19+$0x20 ss:$0x1], $0xffff  }
.LBB1_3:
0x42: {  	p1 =	sne.s32 s21, $0xFE00;
	v8 =	vld.idx.msk [tilespmem:v1+s20+$0x30 ss:$0x1], $0xffff;
	[tilespmem:v0+s19+$0xFFFFFFA0 ss:$0x1] =	vst.idx.msk $0xffff, v6  }
0x43: {  	v9 =	vld.idx.msk [tilespmem:v1+s20+$0xFFFFFFC0 ss:$0x1], $0xffff;
	[tilespmem:v0+s19+$0xFFFFFFB0 ss:$0x1] =	vst.idx.msk $0xffff, v4  }
0x44: {  	v6 =	vld.idx.msk [tilespmem:v1+s20+$0xFFFFFFD0 ss:$0x1], $0xffff;
	[tilespmem:v0+s19+$0xFFFFFFC0 ss:$0x1] =	vst.idx.msk $0xffff, v2  }
.Ltmp3:
0x45: {  	v4 =	vld.idx.msk [tilespmem:v1+s20+$0xFFFFFFE0 ss:$0x1], $0xffff;
	[tilespmem:v0+s19+$0xFFFFFFD0 ss:$0x1] =	vst.idx.msk $0xffff, v3;
	(pc) =	sbr.rel @p1 .LBB1_3-.Ltmp3, $4  }
0x46: {  	v2 =	vld.idx.msk [tilespmem:v1+s20+$0xFFFFFFF0 ss:$0x1], $0xffff;
	[tilespmem:v0+s19+$0xFFFFFFE0 ss:$0x1] =	vst.idx.msk $0xffff, v5  }
0x47: {  	v3 =	vld.idx.msk [tilespmem:v1+s20+$0x0 ss:$0x1], $0xffff;
	[tilespmem:v0+s19+$0xFFFFFFF0 ss:$0x1] =	vst.idx.msk $0xffff, v7;
	s19 =	smov.u32 s20  }
0x48: {  	v5 =	vld.idx.msk [tilespmem:v1+s19+$0x10 ss:$0x1], $0xffff;
	[tilespmem:v0+s19+$0x0 ss:$0x1] =	vst.idx.msk $0xffff, v8  }
0x49: {  	s20 =	sshra.s32 s21, $0x2;
	s21 =	sadd.s32 $0x200, s21;
	[tilespmem:v0+s19+$0xFFFFFF90 ss:$0x1] =	vst.idx.msk $0xffff, v9;
	v7 =	vld.idx.msk [tilespmem:v1+s19+$0x20 ss:$0x1], $0xffff  }
.Ltmp4:
0x4a: {  	_ = 	snop;
	(pc) =	sbr.rel .LBB1_4-.Ltmp4, $1  }
0x4b: {  	_ =	sdelay $0x3  }
.LBB1_6:
0x4c: {  	_ =	sfence.sel $0x180000  }
0x4d: {  	s2 =	simm.s32 $0x1;
	[bflag:$0x0] =	sbarrier.arrive $0xFFFF  }
0x4e: {  	s31 =	simm.s32 $0x2;
	[sflag:s2] =	ssyncpa.u1 $0x1  }
0x4f: {  	[sflag:s31] =	ssyncpa.u1 $0x1  }
0x50: {  	p0 =	sne.s32 s1, $0x0;
	_ =	strace $0x9000004D  }
0x51: {  	s0 =	sadd.s32 @!p0 $0x100000, s0;
	[bflag:$0x2] =	sbarrier.arrive $0xFFFF  }
0x52: {  	[sflag:s0] =	ssyncadd.tile.s32 @!p0 $0x1;
	_ =	shalt  }
.Lfunc_end1:
_tile_overlayer_lowered:
.L_overlay_start_2:
0x53: {  	(tag) =	ssettag $0x2  }
0x54: {  	s0 =	rddreg [dreg:$0x0];
	s2 =	stileid.u32  }
0x55: {  	s1 =	rddreg [dreg:$0x1];
	p0 =	sne.s32 s2, $0x0  }
0x56: {  	s3 =	rddreg [dreg:$0x2];
	[bflag:$0x3] =	sbarrier.arrive $0xFFFF;
	s2 =	simm.s32 @!p0 $0x1C01  }
0x57: {  	[timem:s3], [sflag:s2] =	dma.local @!p0 [hbm:s0], s1  }
0x58: {  	s0 =	simm.s32 @!p0 $0x1  }
0x59: {  	_ =	swait.ge @!p0 [sflag:s0], s1  }
0x5a: {  	s1 =	ssub.s32 @!p0 $0x0, s1;
	[sflag:s0] =	ssyncset.done @!p0 $0x0  }
0x5b: {  	[sflag:s0] =	ssyncadd.s32 @!p0 s1  }
0x5c: {  	[bflag:$0x3] =	sbarrier.arrive $0xFFFF  }
0x5d: {  	_ =	shalt  }

// kernel: sparse-core-data-format-call.2.cloned.1.call-start
scs
called_computation.2_lowered:
.L_overlay_start_0:
0x0: {  	s1 =	sld [smem:$0x3FD9]  }
0x1: {  	s2 =	sld [smem:$0x3FFE];
	_ =	sdelay $0x1  }
0x2: {  	s3 =	srdreg.scid  }
0x3: {  	s0 =	sand.u32 $0x1, s3  }
0x4: {  	s17 =	sshll.u32 s0, $0xA;
	s1 =	sadd.s32 s2, s1  }
0x5: {  	s1 =	sadd.s32 s1, s17  }
0x6: {  	[smem:$0x3F99] =	sst s1  }
0x7: {  	_ = 	snop  }
0x8: {  	(tm) =	ssettm $0x1  }
0x9: {  	s18 =	sld [smem:$0x3FFB];
	_ =	sdelay $0x3  }
0xa: {  	_ =	strace s18  }
0xb: {  	s1 =	sld [smem:$0x3FFC];
	_ =	sdelay $0x3  }
0xc: {  	_ =	strace s1  }
0xd: {  	s1 =	sld [smem:$0x3FFD];
	_ =	sdelay $0x3  }
0xe: {  	_ =	strace s1  }
0xf: {  	_ =	strace $0x8FFFFFFF  }
0x10: {  	s19 =	sld [smem:$0x3FDB];
	_ =	sdelay $0x1  }
0x11: {  	s20 =	simm.s32 $_scs_section_size  }
0x12: {  	s4 =	simm.s32 $_size__tile_overlayer_lowered;
	s5 =	simm.s32 $_tile_overlayer_lowered  }
0x13: {  	s23 =	simm.s32 $0x1BFF;
	s22 =	sshll.u32 s5, $0x1;
	s1 =	sadd.s32 s20, s19  }
0x14: {  	s6 =	simm.s32 $0x0;
	s21 =	sshll.u32 s4, $0x1;
	s4 =	sadd.s32 s22, s1  }
0x15: {  	[timem:s6], [sflag:s23] =	dma.local [hbm:s4], s21  }
0x16: {  	_ =	swait.ge [sflag:s23], s21  }
0x17: {  	s2 =	ssub.s32 $0x0, s21;
	[sflag:s23] =	ssyncset.done $0x0  }
0x18: {  	[sflag:s23] =	ssyncadd.s32 s2;
	_ =	sdelay $0x1  }
0x19: {  	s24 =	simm.s32 $0x1B8B  }
0x1a: {  	_ =	swait.ge [sflag:s24], $0x1  }
0x1b: {  	[sflag:s24] =	ssyncset.done $0x0  }
0x1c: {  	s26 =	simm.s32 $0x1B8E;
	s25 =	sld [smem:$0x3FFE];
	[sflag:s24] =	ssyncadd.s32 $0xFFFFFFFF  }
0x1d: {  	s27 =	simm.s32 $execute0_lowered;
	[smem:$0x3FD2] =	sst s26  }
0x1e: {  	s4 =	sshll.u32 s27, $0x1;
	_ =	strace $0x80000049;
	[dreg:$0x1] =	wrdreg $0xFFFFFFFF  }
0x1f: {  	s28 =	simm.s32 $_size_execute0_lowered;
	s1 =	sadd.s32 s1, s4;
	[dreg:$0x0] =	wrdreg $0x0  }
0x20: {  	s4 =	sshll.u32 s28, $0x1;
	[dreg:$0x2] =	wrdreg s1  }
0x21: {  	[dreg:$0x3] =	wrdreg s4  }
0x22: {  	[dreg:$0x4] =	wrdreg $0xC0  }
0x23: {  	_ =	task [dreg:s6], $0x5FFFF  }
0x24: {  	[dreg:$0x1] =	wrdreg $0xFFFFFFFF  }
0x25: {  	[dreg:$0x0] =	wrdreg $0x60  }
0x26: {  	[dreg:$0x2] =	wrdreg s25  }
0x27: {  	[dreg:$0x3] =	wrdreg $0x9  }
0x28: {  	_ =	task.clear_ibuf [dreg:s6], $0x4FFFF;
	_ =	strace $0x90000049  }
0x29: {  	s29 =	simm.s32 $0x9;
	_ =	strace $0x8000004B  }
0x2a: {  	_ =	swait.ge [sflag:s29], $0x1  }
0x2b: {  	[sflag:s29] =	ssyncadd.s32 $0xFFFFFFFF  }
0x2c: {  	_ =	strace $0x9000004B  }
0x2d: {  	_ =	sfence  }
0x2e: {  	s30 =	sld [smem:$0x0];
	_ =	sdelay $0x2  }
0x2f: {  	s31 =	sshll.u32 s3, $0xD;
	s3 =	sshrl.u32 s3, $0x2  }
0x30: {  	s2 =	sand.u32 $0x4000, s31;
	s1 =	sadd.s32 s3, s30  }
0x31: {  	s0 =	sor.u32 s2, s0;
	s1 =	sshll.u32 s1, $0x11  }
0x32: {  	s0 =	sor.u32 s1, s0  }
0x33: {  	s0 =	sadd.s32 $0x8F2B, s0  }
0x34: {  	[sflag:s0] =	ssyncadd.remote.s32 $0x1  }
0x35: {  	_ =	sfence.sel $0xFFFF  }
0x36: {  	[dreg:$0x0] =	wrdreg $0xFFFFFFFF;
	(pc) =	sbr.abs _section_cstart, $3  }
0x37: {  	[dreg:$0x1] =	wrdreg $0xFFFFFFFF  }
0x38: {  	_ =	task.clear_ibuf [dreg:s6], $0x2FFFF;
	_ =	strace $0x9FFFFFFF  }
0x39: {  	(tm) =	ssettm $0x7FFFFFFF  }
tec
execute0_lowered:
.L_overlay_start_1:
0x0: {  	(tag) =	ssettag $0x1  }
0x1: {  	s0 =	stileid.u32  }
0x2: {  	s1 =	srdreg.scid;
	s5 =	rddreg [dreg:$0x0];
	s31 =	simm.s32 $0x2  }
0x3: {  	s16 =	simm.s32 $0x0;
	s2 =	sshll.u32 s0, $0x6;
	s1 =	sshll.u32 s1, $0xA  }
0x4: {  	s9 =	simm.s32 $0x4000;
	s14 =	simm.s32 $0x0;
	s1 =	sor.u32 s2, s1  }
0x5: {  	s15 =	simm.s32 $0x0;
	s10 =	simm.s32 $0x0;
	s1 =	sand.u32 $0x780, s1  }
0x6: {  	s13 =	simm.s32 $0x0;
	s2 =	sand.u32 $0x1, s0;
	s3 =	ssub.s32 $0x800, s1  }
0x7: {  	s4 =	ssub.s32 $0x2, s2;
	s12 =	smov.u32 s2;
	s6 =	sand.u32 $0x780, s3  }
0x8: {  	s7 =	sshrl.u32 s4, $0x1;
	p0 =	sne.s32 s6, $0x0;
	s6 =	simm.s32 $0x1  }
0x9: {  	s4 =	sand.u32 $0x1, s4;
	s8 =	sshrl.u32 s3, $0xB;
	s6 =	simm.s32 @!p0 $0x0  }
.Ltmp0:
0xa: {  	s4 =	sadd.s32 s4, s7;
	s6 =	sadd.s32 s6, s8;
	(pc) =	sbr.rel .LBB1_1-.Ltmp0, $4  }
0xb: {  	s11 =	smov.u32 s1;
	s3 =	rddreg [dreg:$0x1];
	s7 =	smul.u32 s6, s4  }
0xc: {  	_ =	strace $0x8000004A;
	p0 =	por $0x0, $0x0;
	s6 =	simm.s32 $0x1  }
0xd: {  	s4 =	sadd.s32 $0x30200, s5;
	[sflag:s6] =	ssyncpa.u1 $0x0;
	s7 =	sshll.u32 s7, $0x5  }
0xe: {  	s5 =	sadd.s32 $0x230200, s5;
	[sflag:s31] =	ssyncpa.u1 $0x0;
	s8 =	sor.u32 $0x1, s7  }
.LBB1_4:
0xf: {  	v5 =	vld [tilespmem:s19+$0xFFFFFFD0]  }
0x10: {  	[tilespmem:s20+$0x2040 ss:$0x81] =	vst.msk $0xffff, v1;
	v58 =	vld [tilespmem:s19+$0xFFFFFFE0]  }
0x11: {  	[tilespmem:s20+$0x2850 ss:$0x81] =	vst.msk $0xffff, v2;
	v59 =	vld [tilespmem:s19+$0xFFFFFFF0]  }
0x12: {  	s21 =	sshra.s32 s21, $0x2;
	[tilespmem:s20+$0x3060 ss:$0x81] =	vst.msk $0xffff, v3;
	v60 =	vld [tilespmem:s19+$0x0]  }
0x13: {  	[tilespmem:s20+$0x0 ss:$0x81] =	vst.msk $0xffff, v0;
	v61 =	vld [tilespmem:s19+$0x10];
	s18 =	sadd.s32 s21, s18  }
0x14: {  	s26 =	sshll.u32 s16, $0xB;
	v62 =	vld [tilespmem:s19+$0x20];
	[tilespmem:s18+$0x3870 ss:$0x81] =	vst.msk $0xffff, v4  }
0x15: {  	s27 =	sand.u32 $0x78, s14;
	s22 =	sshll.u32 s14, $0x3;
	v63 =	vld [tilespmem:s19+$0xFFFFFFC0];
	s29 =	sshll.u32 s16, $0x7;
	[tilespmem:s18+$0x810 ss:$0x81] =	vst.msk $0xffff, v5  }
0x16: {  	s15 =	sshll.u32 s15, $0x14;
	s20 =	sand.u32 $0x7FC000, s26;
	s28 =	sand.u32 $0x7FFC00, s22;
	[tilespmem:s18+$0x1020 ss:$0x81] =	vst.msk $0xffff, v58  }
0x17: {  	s31 =	sand.u32 $0x7, s14;
	s22 =	sand.u32 $0x400, s22;
	s19 =	sadd.s32 s28, s20;
	[tilespmem:s18+$0x1830 ss:$0x81] =	vst.msk $0xffff, v59  }
0x18: {  	s16 =	sand.u32 $0x380, s29;
	s30 =	sor.u32 s27, s22;
	s19 =	sshrl.u32 s19, $0x3;
	[tilespmem:s18+$0x2040 ss:$0x81] =	vst.msk $0xffff, v60  }
0x19: {  	s15 =	sadd.s32 s5, s15;
	s16 =	sor.u32 s16, s30;
	s19 =	sand.u32 $0xFFF00, s19;
	[tilespmem:s18+$0x2850 ss:$0x81] =	vst.msk $0xffff, v61  }
0x1a: {  	s14 =	sshll.u32 s31, $0x12;
	s16 =	sshrl.u32 s16, $0x3;
	[tilespmem:s18+$0x3060 ss:$0x81] =	vst.msk $0xffff, v62;
	s15 =	sadd.s32 s19, s15  }
0x1b: {  	s14 =	sor.u32 $0x400, s14;
	[tilespmem:s18+$0x0 ss:$0x81] =	vst.msk $0xffff, v63;
	s15 =	sadd.s32 s16, s15  }
0x1c: {  	[hbm4b:s15+s14] =	stream.strided.scatter [tilespmem:s17], [sflag:$0x2], $0x4000, s9, s14, $0x20;
	[tilespmem:$0x10100] =	vst v63  }
.LBB1_5:
0x1d: {  	s17 =	sadd.s32 $0x80, s10  }
0x1e: {  	s14 =	sadd.s32 $0x800, s11;
	s18 =	smov.u32 s11;
	p2 =	sgt.s32 s17, $0xFFF  }
0x1f: {  	s18 =	smov.u32 @p2 s14  }
0x20: {  	s20 =	smov.u32 s12;
	s14 =	sadd.s32 $0x2, s12;
	p3 =	sgt.s32 s18, $0x7FF  }
0x21: {  	s20 =	smov.u32 @p3 s14  }
0x22: {  	s17 =	simm.s32 @p2 $0x0;
	p2 =	sgt.s32 s20, $0x1  }
0x23: {  	p1 =	slt.u32 s13, $0x2;
	s20 =	smov.u32 @p2 s2;
	p2 =	sne.s32 s13, s8  }
.Ltmp1:
0x24: {  	s19 =	simm.s32 @!p1 $0x2;
	(pc) =	sbr.rel @!p2 .LBB1_6-.Ltmp1, $4  }
0x25: {  	s16 =	smov.u32 s10;
	s15 =	smov.u32 s12;
	_ =	swait.ge @!p1 [sflag:s19], $0x4000  }
0x26: {  	p0 =	por !p0, !p0;
	[sflag:s19] =	ssyncset.done @!p1 $0x0;
	s10 =	smov.u32 s17  }
0x27: {  	s18 =	smov.u32 @p3 s1;
	s14 =	smov.u32 s11;
	[sflag:s19] =	ssyncadd.s32 @!p1 $0xFFFFC000  }
0x28: {  	s11 =	smov.u32 s18;
	s13 =	sadd.s32 $0x1, s13;
	s12 =	smov.u32 s20  }
.LBB1_1:
0x29: {  	p1 =	sge.u32 s13, s7;
	s31 =	sadd.s32 $0xFFFFFFFF, s13  }
0x2a: {  	s17 =	sxor.u32 @!p1 $0xFFFFFFFF, s13;
	s18 =	sand.u32 @!p1 $0x78, s10;
	s19 =	sshll.u32 @!p1 s11, $0xC  }
0x2b: {  	s20 =	sshll.u32 @!p1 s11, $0x7;
	s21 =	sshll.u32 @!p1 s10, $0x3;
	s17 =	sshll.u32 @!p1 s17, $0xE  }
0x2c: {  	s19 =	sand.u32 @!p1 $0x7F8000, s19;
	s20 =	sand.u32 @!p1 $0x380, s20;
	s17 =	sand.u32 @!p1 $0x4000, s17  }
0x2d: {  	s19 =	sadd.s32 @!p1 s19, s21;
	s21 =	sand.u32 @!p1 $0xC00, s21;
	s18 =	sor.u32 @!p1 s20, s18  }
0x2e: {  	s20 =	sshll.u32 @!p1 s12, $0x14;
	s18 =	sor.u32 @!p1 s21, s18;
	s19 =	sshrl.u32 @!p1 s19, $0x3  }
0x2f: {  	s20 =	sadd.s32 @!p1 s4, s20;
	s21 =	sand.u32 @!p1 $0x7, s10;
	s19 =	sand.u32 @!p1 $0xFFE00, s19  }
0x30: {  	s18 =	sshrl.u32 @!p1 s18, $0x3;
	s19 =	sadd.s32 @!p1 s19, s20;
	s20 =	sshll.u32 @!p1 s21, $0x12  }
0x31: {  	s18 =	sadd.s32 @!p1 s18, s19;
	s19 =	sor.u32 @!p1 $0x400, s20;
	s20 =	simm.s32 @!p1 $0x8000  }
0x32: {  	[tilespmem:s17], [sflag:$0x1] =	stream.strided.gather @!p1 [hbm4b:s18+s19], $0x4000, s20, s19, $0x38;
	[tilespmem:$0x10100] =	vst v63  }
0x33: {  	p1 =	sge.u32 s31, s7  }
.Ltmp2:
0x34: {  	_ = 	snop;
	(pc) =	sbr.rel @p1 .LBB1_5-.Ltmp2, $1  }
0x35: {  	_ =	sdelay $0x3  }
0x36: {  	s17 =	simm.s32 $0x1  }
0x37: {  	_ =	swait.ge [sflag:s6], $0x4000;
	s17 =	simm.s32 @!p0 $0x0  }
0x38: {  	[sflag:s6] =	ssyncset.done $0x0;
	s18 =	sshll.u32 s17, $0xE  }
0x39: {  	[sflag:s6] =	ssyncadd.s32 $0xFFFFC000;
	s19 =	sor.u32 $0x40, s18  }
0x3a: {  	s17 =	smul.u32 $0x10200, s17;
	v0 =	vld [tilespmem:s19+$0x30]  }
0x3b: {  	v3 =	vld [tilespmem:s19+$0xFFFFFFD0]  }
0x3c: {  	s17 =	sshrl.u32 s17, $0x2;
	v4 =	vld [tilespmem:s19+$0xFFFFFFE0]  }
0x3d: {  	v5 =	vld [tilespmem:s19+$0xFFFFFFF0];
	s18 =	sor.u32 $0x8000, s17  }
0x3e: {  	s31 =	sand.u32 $0x1, s13;
	v1 =	vld [tilespmem:s19+$0x0];
	s20 =	sadd.s32 $0x0, s18  }
0x3f: {  	v2 =	vld [tilespmem:s19+$0x10];
	s17 =	smul.u32 $0x10200, s31;
	[tilespmem:s20+$0x3870 ss:$0x81] =	vst.msk $0xffff, v0  }
0x40: {  	[tilespmem:s20+$0x810 ss:$0x81] =	vst.msk $0xffff, v3;
	v3 =	vld [tilespmem:s19+$0x20]  }
0x41: {  	s17 =	sshrl.u32 s17, $0x2;
	v0 =	vld [tilespmem:s19+$0xFFFFFFC0];
	[tilespmem:s20+$0x1020 ss:$0x81] =	vst.msk $0xffff, v4;
	s19 =	sadd.s32 $0x80, s19  }
0x42: {  	s21 =	simm.s32 $0x4;
	s22 =	simm.s32 $0x8;
	s17 =	sor.u32 $0x8000, s17;
	[tilespmem:s20+$0x1830 ss:$0x81] =	vst.msk $0xffff, v5;
	v4 =	vld [tilespmem:s19+$0x30]  }
.LBB1_3:
0x43: {  	p1 =	sne.s32 s22, $0x1FC;
	v5 =	vld [tilespmem:s19+$0xFFFFFFD0];
	[tilespmem:s20+$0x2040 ss:$0x81] =	vst.msk $0xffff, v1  }
0x44: {  	v6 =	vld [tilespmem:s19+$0xFFFFFFE0];
	[tilespmem:s20+$0x2850 ss:$0x81] =	vst.msk $0xffff, v2  }
0x45: {  	s23 =	sshra.s32 s21, $0x2;
	s21 =	smov.u32 s22;
	v7 =	vld [tilespmem:s19+$0xFFFFFFF0];
	[tilespmem:s20+$0x3060 ss:$0x81] =	vst.msk $0xffff, v3  }
.Ltmp3:
0x46: {  	v1 =	vld [tilespmem:s19+$0x0];
	[tilespmem:s20+$0x0 ss:$0x81] =	vst.msk $0xffff, v0;
	s20 =	sadd.s32 s23, s18;
	(pc) =	sbr.rel @p1 .LBB1_3-.Ltmp3, $4  }
0x47: {  	v2 =	vld [tilespmem:s19+$0x10];
	[tilespmem:s20+$0x3870 ss:$0x81] =	vst.msk $0xffff, v4  }
0x48: {  	[tilespmem:s20+$0x810 ss:$0x81] =	vst.msk $0xffff, v5;
	v3 =	vld [tilespmem:s19+$0x20]  }
0x49: {  	v0 =	vld [tilespmem:s19+$0xFFFFFFC0];
	[tilespmem:s20+$0x1020 ss:$0x81] =	vst.msk $0xffff, v6;
	s19 =	sadd.s32 $0x80, s19  }
0x4a: {  	s22 =	sadd.s32 $0x4, s22;
	v4 =	vld [tilespmem:s19+$0x30];
	[tilespmem:s20+$0x1830 ss:$0x81] =	vst.msk $0xffff, v7  }
.Ltmp4:
0x4b: {  	_ = 	snop;
	(pc) =	sbr.rel .LBB1_4-.Ltmp4, $1  }
0x4c: {  	_ =	sdelay $0x3  }
.LBB1_6:
0x4d: {  	_ =	sfence.sel $0x180000  }
0x4e: {  	s1 =	simm.s32 $0x1;
	[bflag:$0x0] =	sbarrier.arrive $0xFFFF  }
0x4f: {  	s31 =	simm.s32 $0x2;
	[sflag:s1] =	ssyncpa.u1 $0x1  }
0x50: {  	[sflag:s31] =	ssyncpa.u1 $0x1  }
0x51: {  	p0 =	sne.s32 s0, $0x0;
	_ =	strace $0x9000004A  }
0x52: {  	s0 =	sadd.s32 @!p0 $0x100000, s3;
	[bflag:$0x2] =	sbarrier.arrive $0xFFFF  }
0x53: {  	[sflag:s0] =	ssyncadd.tile.s32 @!p0 $0x1;
	_ =	shalt  }
.Lfunc_end1:
_tile_overlayer_lowered:
.L_overlay_start_2:
0x54: {  	(tag) =	ssettag $0x2  }
0x55: {  	s0 =	rddreg [dreg:$0x0];
	s2 =	stileid.u32  }
0x56: {  	s1 =	rddreg [dreg:$0x1];
	p0 =	sne.s32 s2, $0x0  }
0x57: {  	s3 =	rddreg [dreg:$0x2];
	[bflag:$0x3] =	sbarrier.arrive $0xFFFF;
	s2 =	simm.s32 @!p0 $0x1C01  }
0x58: {  	[timem:s3], [sflag:s2] =	dma.local @!p0 [hbm:s0], s1  }
0x59: {  	s0 =	simm.s32 @!p0 $0x1  }
0x5a: {  	_ =	swait.ge @!p0 [sflag:s0], s1  }
0x5b: {  	s1 =	ssub.s32 @!p0 $0x0, s1;
	[sflag:s0] =	ssyncset.done @!p0 $0x0  }
0x5c: {  	[sflag:s0] =	ssyncadd.s32 @!p0 s1  }
0x5d: {  	[bflag:$0x3] =	sbarrier.arrive $0xFFFF  }
0x5e: {  	_ =	shalt  }

// kernel: sparse-core-data-format-call.cloned.1.call-start
scs
called_computation_lowered:
.L_overlay_start_0:
0x0: {  	s1 =	sld [smem:$0x3FD9]  }
0x1: {  	s2 =	sld [smem:$0x3FFE];
	_ =	sdelay $0x1  }
0x2: {  	s3 =	srdreg.scid  }
0x3: {  	s0 =	sand.u32 $0x1, s3  }
0x4: {  	s17 =	sshll.u32 s0, $0xA;
	s1 =	sadd.s32 s2, s1  }
0x5: {  	s1 =	sadd.s32 s1, s17  }
0x6: {  	[smem:$0x3F99] =	sst s1  }
0x7: {  	_ = 	snop  }
0x8: {  	(tm) =	ssettm $0x1  }
0x9: {  	s18 =	sld [smem:$0x3FFB];
	_ =	sdelay $0x3  }
0xa: {  	_ =	strace s18  }
0xb: {  	s1 =	sld [smem:$0x3FFC];
	_ =	sdelay $0x3  }
0xc: {  	_ =	strace s1  }
0xd: {  	s1 =	sld [smem:$0x3FFD];
	_ =	sdelay $0x3  }
0xe: {  	_ =	strace s1  }
0xf: {  	_ =	strace $0x8FFFFFFF  }
0x10: {  	s19 =	sld [smem:$0x3FDB];
	_ =	sdelay $0x1  }
0x11: {  	s20 =	simm.s32 $_scs_section_size  }
0x12: {  	s4 =	simm.s32 $_size__tile_overlayer_lowered;
	s5 =	simm.s32 $_tile_overlayer_lowered  }
0x13: {  	s23 =	simm.s32 $0x1BFF;
	s22 =	sshll.u32 s5, $0x1;
	s1 =	sadd.s32 s20, s19  }
0x14: {  	s6 =	simm.s32 $0x0;
	s21 =	sshll.u32 s4, $0x1;
	s4 =	sadd.s32 s22, s1  }
0x15: {  	[timem:s6], [sflag:s23] =	dma.local [hbm:s4], s21  }
0x16: {  	_ =	swait.ge [sflag:s23], s21  }
0x17: {  	s2 =	ssub.s32 $0x0, s21;
	[sflag:s23] =	ssyncset.done $0x0  }
0x18: {  	[sflag:s23] =	ssyncadd.s32 s2;
	_ =	sdelay $0x1  }
0x19: {  	s24 =	simm.s32 $0x1B8B  }
0x1a: {  	_ =	swait.ge [sflag:s24], $0x1  }
0x1b: {  	[sflag:s24] =	ssyncset.done $0x0  }
0x1c: {  	s26 =	simm.s32 $0x1B8E;
	s25 =	sld [smem:$0x3FFE];
	[sflag:s24] =	ssyncadd.s32 $0xFFFFFFFF  }
0x1d: {  	s27 =	simm.s32 $execute0_lowered;
	[smem:$0x3FD2] =	sst s26  }
0x1e: {  	s4 =	sshll.u32 s27, $0x1;
	_ =	strace $0x8000004F;
	[dreg:$0x1] =	wrdreg $0xFFFFFFFF  }
0x1f: {  	s28 =	simm.s32 $_size_execute0_lowered;
	s1 =	sadd.s32 s1, s4;
	[dreg:$0x0] =	wrdreg $0x0  }
0x20: {  	s4 =	sshll.u32 s28, $0x1;
	[dreg:$0x2] =	wrdreg s1  }
0x21: {  	[dreg:$0x3] =	wrdreg s4  }
0x22: {  	[dreg:$0x4] =	wrdreg $0xC0  }
0x23: {  	_ =	task [dreg:s6], $0x5FFFF  }
0x24: {  	[dreg:$0x1] =	wrdreg $0xFFFFFFFF  }
0x25: {  	[dreg:$0x0] =	wrdreg $0x60  }
0x26: {  	[dreg:$0x2] =	wrdreg s25  }
0x27: {  	[dreg:$0x3] =	wrdreg $0x9  }
0x28: {  	_ =	task.clear_ibuf [dreg:s6], $0x4FFFF;
	_ =	strace $0x9000004F  }
0x29: {  	s29 =	simm.s32 $0x9;
	_ =	strace $0x80000051  }
0x2a: {  	_ =	swait.ge [sflag:s29], $0x1  }
0x2b: {  	[sflag:s29] =	ssyncadd.s32 $0xFFFFFFFF  }
0x2c: {  	_ =	strace $0x90000051  }
0x2d: {  	_ =	sfence  }
0x2e: {  	s30 =	sld [smem:$0x0];
	_ =	sdelay $0x2  }
0x2f: {  	s31 =	sshll.u32 s3, $0xD;
	s3 =	sshrl.u32 s3, $0x2  }
0x30: {  	s2 =	sand.u32 $0x4000, s31;
	s1 =	sadd.s32 s3, s30  }
0x31: {  	s0 =	sor.u32 s2, s0;
	s1 =	sshll.u32 s1, $0x11  }
0x32: {  	s0 =	sor.u32 s1, s0  }
0x33: {  	s0 =	sadd.s32 $0x8F2B, s0  }
0x34: {  	[sflag:s0] =	ssyncadd.remote.s32 $0x1  }
0x35: {  	_ =	sfence.sel $0xFFFF  }
0x36: {  	[dreg:$0x0] =	wrdreg $0xFFFFFFFF;
	(pc) =	sbr.abs _section_cstart, $3  }
0x37: {  	[dreg:$0x1] =	wrdreg $0xFFFFFFFF  }
0x38: {  	_ =	task.clear_ibuf [dreg:s6], $0x2FFFF;
	_ =	strace $0x9FFFFFFF  }
0x39: {  	(tm) =	ssettm $0x7FFFFFFF  }
tec
execute0_lowered:
.L_overlay_start_1:
0x0: {  	(tag) =	ssettag $0x1  }
0x1: {  	s1 =	srdreg.scid  }
0x2: {  	s0 =	stileid.u32;
	s7 =	rddreg [dreg:$0x0]  }
0x3: {  	s31 =	simm.s32 $0x2;
	s13 =	simm.s32 $0x0;
	s1 =	sshll.u32 s1, $0x4  }
0x4: {  	s14 =	simm.s32 $0x0;
	s3 =	sand.u32 $0x1, s0;
	s1 =	sor.u32 s0, s1  }
0x5: {  	s12 =	simm.s32 $0x0;
	s5 =	ssub.s32 $0x2, s3;
	s2 =	sand.u32 $0x1E, s1  }
0x6: {  	s11 =	smov.u32 s3;
	s1 =	rddreg [dreg:$0x1];
	s4 =	ssub.s32 $0x200, s2  }
0x7: {  	_ =	strace $0x80000050;
	s8 =	sshrl.u32 s5, $0x1;
	s6 =	sand.u32 $0x1E, s4  }
0x8: {  	s5 =	sand.u32 $0x1, s5;
	p0 =	sne.s32 s6, $0x0;
	s6 =	simm.s32 $0x1  }
.Ltmp0:
0x9: {  	s9 =	sshrl.u32 s4, $0x5;
	s6 =	simm.s32 @!p0 $0x0;
	(pc) =	sbr.rel .LBB1_1-.Ltmp0, $4  }
0xa: {  	s5 =	sadd.s32 s5, s8;
	s4 =	simm.s32 $0x1;
	s6 =	sadd.s32 s6, s9  }
0xb: {  	s10 =	smov.u32 s2;
	[sflag:s4] =	ssyncpa.u1 $0x0;
	s5 =	smul.u32 s5, s6  }
0xc: {  	[sflag:s31] =	ssyncpa.u1 $0x0;
	p0 =	por $0x0, $0x0;
	s9 =	simm.s32 $0x0  }
0xd: {  	s6 =	sadd.s32 $0x30200, s7;
	s7 =	sadd.s32 $0x130200, s7;
	s8 =	sadd.s32 $0x1, s5  }
.LBB1_7:
0xe: {  	s15 =	sadd.s32 $0x20, s10  }
0xf: {  	s13 =	sadd.s32 $0x2, s11;
	s17 =	smov.u32 s11;
	p2 =	sgt.s32 s15, $0x1FF  }
0x10: {  	s17 =	smov.u32 @p2 s13  }
0x11: {  	s15 =	smov.u32 @p2 s2;
	p2 =	sgt.s32 s17, $0x1  }
0x12: {  	s17 =	smov.u32 @p2 s3;
	p2 =	sne.s32 s12, s8  }
.Ltmp1:
0x13: {  	p1 =	slt.u32 s12, $0x2;
	(pc) =	sbr.rel @!p2 .LBB1_8-.Ltmp1, $4  }
0x14: {  	s16 =	simm.s32 @!p1 $0x2  }
0x15: {  	s14 =	smov.u32 s11;
	p0 =	por !p0, !p0;
	_ =	swait.ge @!p1 [sflag:s16], $0x4000  }
0x16: {  	s13 =	smov.u32 s10;
	[sflag:s16] =	ssyncset.done @!p1 $0x0;
	s10 =	smov.u32 s15  }
0x17: {  	s12 =	sadd.s32 $0x1, s12;
	[sflag:s16] =	ssyncadd.s32 @!p1 $0xFFFFC000;
	s11 =	smov.u32 s17  }
.LBB1_1:
0x18: {  	p1 =	sge.u32 s12, s5  }
0x19: {  	s31 =	sadd.s32 $0xFFFFFFFF, s12;
	s15 =	sxor.u32 @!p1 $0xFFFFFFFF, s12;
	s16 =	sshll.u32 @!p1 s11, $0x13  }
0x1a: {  	s17 =	sshll.u32 @!p1 s10, $0xA;
	s16 =	sadd.s32 @!p1 s6, s16;
	s15 =	sshll.u32 @!p1 s15, $0xE  }
0x1b: {  	s16 =	sadd.s32 @!p1 s17, s16;
	s15 =	sand.u32 @!p1 $0x4000, s15;
	s17 =	simm.s32 @!p1 $0x0  }
0x1c: {  	[tilespmem:s15], [sflag:$0x1] =	stream.linear.gather @!p1 [hbm4b:s16+s17], $0x4000, $0x38;
	[tilespmem:$0x10100] =	vst v63  }
0x1d: {  	p1 =	sge.u32 s31, s5  }
.Ltmp2:
0x1e: {  	_ = 	snop;
	(pc) =	sbr.rel @p1 .LBB1_7-.Ltmp2, $1  }
0x1f: {  	_ =	sdelay $0x3  }
0x20: {  	s15 =	sand.u32 $0x1, s12;
	s16 =	simm.s32 $0x1  }
0x21: {  	_ =	swait.ge [sflag:s4], $0x4000;
	s15 =	smul.u32 $0x10200, s15;
	s16 =	simm.s32 @!p0 $0x0  }
0x22: {  	s17 =	simm.s32 $0x0;
	p2 =	por $0x1, $0x1;
	s16 =	sshll.u32 s16, $0x10  }
0x23: {  	[sflag:s4] =	ssyncset.done $0x0;
	s15 =	sshrl.u32 s15, $0x2;
	s16 =	sshrl.u32 s16, $0x2  }
0x24: {  	[sflag:s4] =	ssyncadd.s32 $0xFFFFC000;
	s15 =	sor.u32 $0x8000, s15;
	s16 =	sadd.s32 $0x40, s16  }
.LBB1_3:
0x25: {  	s18 =	sshll.u32 s17, $0xD  }
0x26: {  	s18 =	sand.u32 $0x3FFFE000, s18  }
0x27: {  	s18 =	sadd.s32 s18, s16  }
0x28: {  	v0 =	vld [tilespmem:s18+$0x20]  }
0x29: {  	v1 =	vld [tilespmem:s18+$0x30]  }
0x2a: {  	v2 =	vld [tilespmem:s18+$0xFFFFFFD0]  }
0x2b: {  	v3 =	vld [tilespmem:s18+$0xFFFFFFE0]  }
0x2c: {  	v4 =	vld [tilespmem:s18+$0xFFFFFFF0]  }
0x2d: {  	s30 =	smul.u32 $0x8100, s17;
	v5 =	vld [tilespmem:s18+$0x0]  }
0x2e: {  	v6 =	vld [tilespmem:s18+$0x10]  }
0x2f: {  	s17 =	sshra.s32 s30, $0x2;
	s24 =	sadd.s32 $0x80, s18;
	v1 =	vperm.xlane.i2c.b16 v1  }
0x30: {  	s19 =	simm.s32 $0x0;
	s17 =	sadd.s32 s17, s15;
	v10 =	vld [tilespmem:s24+$0x20];
	v7 =	vperm.xlane.i2c.b16 v0;
	v0 =	vperm.xlane.i2c.b16 v2  }
0x31: {  	s21 =	sand.u32 $0x3E, s19;
	v8 =	vld [tilespmem:s18+$0xFFFFFFC0];
	s18 =	sadd.s32 $0x1830, s17;
	v3 =	vperm.xlane.i2c.b16 v3;
	v4 =	vperm.xlane.i2c.b16 v4  }
0x32: {  	s23 =	sand.u32 $0x40, s19;
	s19 =	sadd.s32 $0x810, s17;
	v12 =	vld [tilespmem:s24+$0xFFFFFFD0];
	s20 =	sadd.s32 s21, s18;
	v5 =	vperm.xlane.i2c.b16 v5;
	v2 =	vcombine.low v7, v1  }
0x33: {  	v11 =	vld [tilespmem:s24+$0x30];
	s25 =	sadd.s32 s21, s19;
	s22 =	sadd.s32 s23, s20;
	v6 =	vperm.xlane.i2c.b16 v6;
	v9 =	vcombine.low v3, v4  }
0x34: {  	s20 =	sadd.s32 $0x1020, s17;
	s26 =	sadd.s32 s23, s25;
	v1 =	vcombine.high v7, v1;
	v7 =	vld [tilespmem:s24+$0xFFFFFFF0];
	[tilespmem:s22+$0x0 ss:$0x81] =	vst.msk $0xffff, v2  }
0x35: {  	s27 =	sadd.s32 s21, s20;
	v10 =	vperm.xlane.i2c.b16 v10;
	v14 =	vcombine.low v5, v6;
	v2 =	vld [tilespmem:s24+$0xFFFFFFE0];
	[tilespmem:s26+$0x0 ss:$0x81] =	vst.msk $0xffff, v9  }
0x36: {  	p1 =	por p2, p2;
	s31 =	sadd.s32 s21, s17;
	s25 =	sadd.s32 s23, s27;
	v13 =	vcombine.high v3, v4;
	v3 =	vld [tilespmem:s24+$0x0];
	[tilespmem:s22+$0x1 ss:$0x81] =	vst.msk $0xffff, v1;
	v1 =	vperm.xlane.i2c.b16 v8  }
0x37: {  	s21 =	sadd.s32 s23, s31;
	s27 =	simm.s32 $0x2;
	s23 =	simm.s32 $0x4;
	v4 =	vld [tilespmem:s24+$0x10];
	v9 =	vcombine.high v5, v6;
	v6 =	vperm.xlane.i2c.b16 v12;
	[tilespmem:s25+$0x0 ss:$0x81] =	vst.msk $0xffff, v14  }
0x38: {  	v5 =	vld [tilespmem:s24+$0xFFFFFFC0];
	s24 =	sadd.s32 $0x80, s24;
	s22 =	simm.s32 $0x2;
	v8 =	vperm.xlane.i2c.b16 v11;
	[tilespmem:s26+$0x1 ss:$0x81] =	vst.msk $0xffff, v13;
	s26 =	sand.u32 $0x3E, s27;
	v11 =	vcombine.low v1, v0  }
.LBB1_4:
0x39: {  	s28 =	sadd.s32 s26, s17  }
0x3a: {  	v12 =	vld [tilespmem:s24+$0x20];
	s27 =	sand.u32 $0x40, s27;
	v13 =	vperm.xlane.i2c.b16 v2;
	v2 =	vcombine.low v10, v8;
	s29 =	sadd.s32 s26, s18;
	[tilespmem:s25+$0x1 ss:$0x81] =	vst.msk $0xffff, v9;
	s25 =	sadd.s32 s26, s19  }
0x3b: {  	s26 =	sadd.s32 s26, s20;
	s22 =	sadd.s32 $0x2, s22;
	v14 =	vld [tilespmem:s24+$0x30];
	v9 =	vperm.xlane.i2c.b16 v7;
	s29 =	sadd.s32 s27, s29;
	v7 =	vcombine.high v10, v8;
	[tilespmem:s21+$0x0 ss:$0x81] =	vst.msk $0xffff, v11  }
0x3c: {  	s28 =	sadd.s32 s27, s28;
	s30 =	sadd.s32 s27, s25;
	p2 =	slt.u32 s22, $0x7E;
	v11 =	vld [tilespmem:s24+$0xFFFFFFD0];
	v8 =	vperm.xlane.i2c.b16 v3;
	[tilespmem:s29+$0x0 ss:$0x81] =	vst.msk $0xffff, v2;
	v3 =	vcombine.high v1, v0;
	v0 =	vmov v6  }
.Ltmp3:
0x3d: {  	s25 =	sadd.s32 s27, s26;
	v2 =	vld [tilespmem:s24+$0xFFFFFFE0];
	v6 =	vcombine.low v13, v9;
	v4 =	vperm.xlane.i2c.b16 v4;
	[tilespmem:s29+$0x1 ss:$0x81] =	vst.msk $0xffff, v7;
	(pc) =	sbr.rel @p2 .LBB1_4-.Ltmp3, $4  }
0x3e: {  	v7 =	vld [tilespmem:s24+$0xFFFFFFF0];
	v1 =	vperm.xlane.i2c.b16 v5;
	v5 =	vcombine.high v13, v9;
	[tilespmem:s21+$0x1 ss:$0x81] =	vst.msk $0xffff, v3;
	s21 =	smov.u32 s28  }
0x3f: {  	s23 =	sadd.s32 $0x4, s23;
	v3 =	vld [tilespmem:s24+$0x0];
	[tilespmem:s30+$0x0 ss:$0x81] =	vst.msk $0xffff, v6;
	v13 =	vcombine.low v8, v4;
	v9 =	vcombine.high v8, v4  }
0x40: {  	s27 =	sshrl.u32 s23, $0x1;
	v10 =	vperm.xlane.i2c.b16 v12;
	v4 =	vld [tilespmem:s24+$0x10];
	v8 =	vperm.xlane.i2c.b16 v14;
	[tilespmem:s30+$0x1 ss:$0x81] =	vst.msk $0xffff, v5  }
0x41: {  	s26 =	sand.u32 $0x3E, s27;
	v5 =	vld [tilespmem:s24+$0xFFFFFFC0];
	v6 =	vperm.xlane.i2c.b16 v11;
	s24 =	sadd.s32 $0x80, s24;
	v11 =	vcombine.low v1, v0;
	[tilespmem:s25+$0x0 ss:$0x81] =	vst.msk $0xffff, v13  }
0x42: {  	s22 =	sand.u32 $0x40, s27;
	v2 =	vperm.xlane.i2c.b16 v2;
	v12 =	vcombine.low v10, v8;
	s18 =	sadd.s32 s26, s18;
	[tilespmem:s25+$0x1 ss:$0x81] =	vst.msk $0xffff, v9  }
0x43: {  	v0 =	vcombine.high v1, v0;
	v7 =	vperm.xlane.i2c.b16 v7;
	s18 =	sadd.s32 s22, s18;
	[tilespmem:s21+$0x0 ss:$0x81] =	vst.msk $0xffff, v11  }
0x44: {  	v59 =	vcombine.high v10, v8;
	v3 =	vperm.xlane.i2c.b16 v3;
	[tilespmem:s18+$0x0 ss:$0x81] =	vst.msk $0xffff, v12  }
0x45: {  	s19 =	sadd.s32 s26, s19;
	[tilespmem:s21+$0x1 ss:$0x81] =	vst.msk $0xffff, v0;
	v60 =	vcombine.low v2, v7;
	v4 =	vperm.xlane.i2c.b16 v4  }
0x46: {  	s30 =	sadd.s32 s22, s19;
	[tilespmem:s18+$0x1 ss:$0x81] =	vst.msk $0xffff, v59;
	v2 =	vcombine.high v2, v7  }
0x47: {  	s31 =	sadd.s32 s26, s20;
	v61 =	vperm.xlane.i2c.b16 v5;
	[tilespmem:s30+$0x0 ss:$0x81] =	vst.msk $0xffff, v60;
	v62 =	vcombine.low v3, v4  }
.Ltmp4:
0x48: {  	s19 =	sadd.s32 s22, s31;
	v3 =	vcombine.high v3, v4;
	[tilespmem:s30+$0x1 ss:$0x81] =	vst.msk $0xffff, v2;
	(pc) =	sbr.rel @p1 .LBB1_3-.Ltmp4, $4  }
0x49: {  	s17 =	sadd.s32 s26, s17;
	v63 =	vcombine.low v61, v6;
	[tilespmem:s19+$0x0 ss:$0x81] =	vst.msk $0xffff, v62  }
0x4a: {  	s17 =	sadd.s32 s22, s17;
	v0 =	vcombine.high v61, v6;
	[tilespmem:s19+$0x1 ss:$0x81] =	vst.msk $0xffff, v3  }
0x4b: {  	[tilespmem:s17+$0x0 ss:$0x81] =	vst.msk $0xffff, v63  }
0x4c: {  	p2 =	por $0x0, $0x0;
	[tilespmem:s17+$0x1 ss:$0x81] =	vst.msk $0xffff, v0;
	s17 =	simm.s32 $0x1  }
.Ltmp5:
0x4d: {  	(pc) =	sbr.rel .LBB1_7-.Ltmp5, $4  }
0x4e: {  	s14 =	sshll.u32 s14, $0x13  }
0x4f: {  	s13 =	sshll.u32 s13, $0xA;
	s14 =	sadd.s32 s7, s14  }
0x50: {  	s13 =	sadd.s32 s13, s14  }
0x51: {  	[hbm4b:s13+s9] =	stream.linear.scatter [tilespmem:s15], [sflag:$0x2], $0x4000, $0x20;
	[tilespmem:$0x10100] =	vst v63  }
.LBB1_8:
0x52: {  	_ =	sfence.sel $0x180000  }
0x53: {  	s2 =	simm.s32 $0x1;
	[bflag:$0x0] =	sbarrier.arrive $0xFFFF  }
0x54: {  	s31 =	simm.s32 $0x2;
	[sflag:s2] =	ssyncpa.u1 $0x1  }
0x55: {  	[sflag:s31] =	ssyncpa.u1 $0x1  }
0x56: {  	p0 =	sne.s32 s0, $0x0;
	_ =	strace $0x90000050  }
0x57: {  	s0 =	sadd.s32 @!p0 $0x100000, s1;
	[bflag:$0x2] =	sbarrier.arrive $0xFFFF  }
0x58: {  	[sflag:s0] =	ssyncadd.tile.s32 @!p0 $0x1;
	_ =	shalt  }
.Lfunc_end1:
_tile_overlayer_lowered:
.L_overlay_start_2:
0x59: {  	(tag) =	ssettag $0x2  }
0x5a: {  	s0 =	rddreg [dreg:$0x0];
	s2 =	stileid.u32  }
0x5b: {  	s1 =	rddreg [dreg:$0x1];
	p0 =	sne.s32 s2, $0x0  }
0x5c: {  	s3 =	rddreg [dreg:$0x2];
	[bflag:$0x3] =	sbarrier.arrive $0xFFFF;
	s2 =	simm.s32 @!p0 $0x1C01  }
0x5d: {  	[timem:s3], [sflag:s2] =	dma.local @!p0 [hbm:s0], s1  }
0x5e: {  	s0 =	simm.s32 @!p0 $0x1  }
0x5f: {  	_ =	swait.ge @!p0 [sflag:s0], s1  }
0x60: {  	s1 =	ssub.s32 @!p0 $0x0, s1;
	[sflag:s0] =	ssyncset.done @!p0 $0x0  }
0x61: {  	[sflag:s0] =	ssyncadd.s32 @!p0 s1  }
0x62: {  	[bflag:$0x3] =	sbarrier.arrive $0xFFFF  }
0x63: {  	_ =	shalt  }

</sc_bundles>
